<compile_context>
chip_gen: v7x
topology: tpu7x:2x2x1
jax: 0.10.2.dev20260603
libtpu: 0.0.44.dev20260713+nightly
codegen_flags: <defaults>
</compile_context>

<pallas_src>
import functools

import jax
import jax.numpy as jnp
from jax import lax
from jax.experimental import pallas as pl
from jax.experimental.pallas import tpu as pltpu
from jax.experimental.pallas import tpu_sc as plsc

_B = 16384
_F = 26
_N = _B * _F
_D = 16
_NW = 32
_PER_W = _N // _NW
_G = 256
_NG = _PER_W // _G
_P = 4
_UNROLL = 4


def _make_kernel():
    mesh = plsc.VectorSubcoreMesh(core_axis_name="c", subcore_axis_name="s")

    @functools.partial(
        pl.kernel,
        mesh=mesh,
        compiler_params=pltpu.CompilerParams(use_tc_tiling_on_sc=False),
        out_type=jax.ShapeDtypeStruct((_N, 2, _D), jnp.float32),
        scratch_types=[
            pltpu.VMEM((_PER_W,), jnp.int32),
            pltpu.VMEM((_P, _G, _D), jnp.float32),
            pltpu.VMEM((_P, _G, _D), jnp.float32),
        ] + [pltpu.SemaphoreType.DMA] * (2 * _P),
    )
    def k(x_hbm, frozen_hbm, learn_hbm, out_hbm, idx_v, f_buf, l_buf, *sems):
        sg = sems[:_P]
        sw = sems[_P:]
        c = lax.axis_index("c")
        s = lax.axis_index("s")
        base = (s * 2 + c) * _PER_W
        pltpu.sync_copy(x_hbm.at[pl.ds(base, _PER_W)], idx_v)

        def gathers(j, b):
            idx = idx_v.at[pl.ds(j * _G, _G)]
            pltpu.async_copy(frozen_hbm.at[idx], f_buf.at[b], sg[b])
            pltpu.async_copy(learn_hbm.at[idx], l_buf.at[b], sg[b])

        def wait_gathers(j, b):
            idx = idx_v.at[pl.ds(j * _G, _G)]
            pltpu.make_async_copy(frozen_hbm.at[idx], f_buf.at[b], sg[b]).wait()
            pltpu.make_async_copy(learn_hbm.at[idx], l_buf.at[b], sg[b]).wait()

        def writes(j, b):
            o = pl.ds(base + j * _G, _G)
            pltpu.async_copy(f_buf.at[b], out_hbm.at[o, 0], sw[b])
            pltpu.async_copy(l_buf.at[b], out_hbm.at[o, 1], sw[b])

        def wait_writes(j, b):
            o = pl.ds(base + j * _G, _G)
            pltpu.make_async_copy(f_buf.at[b], out_hbm.at[o, 0], sw[b]).wait()
            pltpu.make_async_copy(l_buf.at[b], out_hbm.at[o, 1], sw[b]).wait()

        gathers(0, 0)
        gathers(1, 1)

        def step(g, carry):
            for b in range(_UNROLL):
                j = g * _UNROLL + b
                bb = b % _P
                wait_gathers(j, bb)
                writes(j, bb)
                b2 = (b + 2) % _P

                @pl.when(j >= 2)
                def _():
                    wait_writes(j - 2, b2)

                @pl.when(j + 2 < _NG)
                def _():
                    gathers(j + 2, b2)

            return carry

        lax.fori_loop(0, _NG // _UNROLL, step, 0)
        wait_writes(_NG - 2, (_NG - 2) % _P)
        wait_writes(_NG - 1, (_NG - 1) % _P)

    return k


_sc_gather = _make_kernel()


def kernel(x, frozen_table, learn_table):
    x_flat = x.reshape(_N).astype(jnp.int32)
    out = _sc_gather(x_flat, frozen_table, learn_table)
    return out.reshape(_B, _F, 2 * _D)

# --- scband reference (transcript-rebuilt; emitter-appended) ---
"""Pipeline reference for scband-part-frozen-embedding-24489903521864 (READ-ONLY COPY).

The authoritative reference and input builder live on the scoring server;
editing this copy changes nothing except your own understanding.
"""

import jax, jax.numpy as jnp
import numpy as np

VOCAB = 1000000
FROZEN_DIM = 16
LEARN_DIM = 16
BATCH = 16384
FIELDS = 26


def setup_inputs(seed: int = 0) -> dict:
    key = jax.random.key(seed)
    k_idx, k_frozen, k_learn = jax.random.split(key, 3)
    x = jax.random.randint(k_idx, (BATCH, FIELDS), 0, VOCAB, dtype=jnp.int64 if jax.config.jax_enable_x64 else jnp.int32)
    frozen_table = jax.random.normal(k_frozen, (VOCAB, FROZEN_DIM), dtype=jnp.float32)
    learn_table = jax.random.normal(k_learn, (VOCAB, LEARN_DIM), dtype=jnp.float32)
    return {"x": x, "frozen_table": frozen_table, "learn_table": learn_table}


def reference(x, frozen_table, learn_table):
    # PartFrozenEmbedding.forward: cat(frozen(x), learn(x), dim=-1)
    frozen_emb = jnp.take(frozen_table, x, axis=0)   # [B, F, FROZEN_DIM]
    learn_emb = jnp.take(learn_table, x, axis=0)     # [B, F, LEARN_DIM]
    return jnp.concatenate((frozen_emb, learn_emb), axis=-1)  # [B, F, 32]

if __name__ == "__main__":
    import jax
    _d = setup_inputs()
    print(jax.jit(kernel)(*tuple(_d.values())))

</pallas_src>

<mosaic_0001>
#map = affine_map<(d0, d1) -> (0)>
#map1 = affine_map<(d0, d1) -> (0, 0)>
#map2 = affine_map<(d0, d1) -> (0, 0, 0)>
module attributes {stable_mosaic.version = 14 : i64} {
  func.func @k(%arg0: i32, %arg1: i32, %arg2: memref<425984xi32, #tpu.memory_space<hbm>>, %arg3: memref<1000000x16xf32, #tpu.memory_space<hbm>>, %arg4: memref<1000000x16xf32, #tpu.memory_space<hbm>>, %arg5: memref<425984x2x16xf32, #tpu.memory_space<hbm>>, %arg6: memref<13312xi32, #tpu.memory_space<vmem>>, %arg7: memref<4x256x16xf32, #tpu.memory_space<vmem>>, %arg8: memref<4x256x16xf32, #tpu.memory_space<vmem>>, %arg9: memref<!tpu.dma_semaphore, #tpu.memory_space<semaphore_mem>>, %arg10: memref<!tpu.dma_semaphore, #tpu.memory_space<semaphore_mem>>, %arg11: memref<!tpu.dma_semaphore, #tpu.memory_space<semaphore_mem>>, %arg12: memref<!tpu.dma_semaphore, #tpu.memory_space<semaphore_mem>>, %arg13: memref<!tpu.dma_semaphore, #tpu.memory_space<semaphore_mem>>, %arg14: memref<!tpu.dma_semaphore, #tpu.memory_space<semaphore_mem>>, %arg15: memref<!tpu.dma_semaphore, #tpu.memory_space<semaphore_mem>>, %arg16: memref<!tpu.dma_semaphore, #tpu.memory_space<semaphore_mem>>) attributes {dimension_semantics = [#tpu.dimension_semantics<core_parallel>, #tpu.dimension_semantics<subcore_parallel>], iteration_bounds = array<i64: 2, 16>, scalar_prefetch = 0 : i64, scratch_operands = 11 : i64, tpu.core_type = #tpu.core_type<sc_vector_subcore>, window_params = [{transform_indices = #map}, {transform_indices = #map1}, {transform_indices = #map1}, {transform_indices = #map2}]} {
    %mul3A = arith.constant 2 : i32
    %mul3A_0 = arith.muli %arg1, %mul3A : i32
    %add3A = arith.addi %mul3A_0, %arg0 : i32
    %mul3A_1 = arith.constant 13312 : i32
    %mul3A_2 = arith.muli %add3A, %mul3A_1 : i32
    "tpu.region"() ({
      %run_scoped3A = tpu.sem_alloc : memref<!tpu.dma_semaphore, #tpu.memory_space<semaphore_mem>>
      %dma_start3A_114 = tpu.memref_slice %arg2[%mul3A_2] : memref<425984xi32, #tpu.memory_space<hbm>> -> memref<13312xi32, #tpu.memory_space<hbm>>
      %dma_start3A_115 = tpu.memref_slice %arg2[%mul3A_2] : memref<425984xi32, #tpu.memory_space<hbm>> -> memref<13312xi32, #tpu.memory_space<hbm>>
      tpu.enqueue_dma source(%dma_start3A_115 : memref<13312xi32, #tpu.memory_space<hbm>>) target(%arg6 : memref<13312xi32, #tpu.memory_space<vmem>>) target_semaphore(%run_scoped3A : memref<!tpu.dma_semaphore, #tpu.memory_space<semaphore_mem>>)
      %dma_wait3A_116 = tpu.memref_slice %arg2[%mul3A_2] : memref<425984xi32, #tpu.memory_space<hbm>> -> memref<13312xi32, #tpu.memory_space<hbm>>
      %dma_wait3A_117 = tpu.memref_slice %arg2[%mul3A_2] : memref<425984xi32, #tpu.memory_space<hbm>> -> memref<13312xi32, #tpu.memory_space<hbm>>
      tpu.wait_dma2 semaphore(%run_scoped3A : memref<!tpu.dma_semaphore, #tpu.memory_space<semaphore_mem>>) src(%dma_wait3A_117 : memref<13312xi32, #tpu.memory_space<hbm>>) dst(%arg6 : memref<13312xi32, #tpu.memory_space<vmem>>)
      tpu.yield
    }) : () -> ()
    %dma_start3A = arith.constant 0 : i32
    %dma_start3A_3 = arith.constant 0 : i32
    %dma_start3A_4 = arith.constant 0 : i32
    %dma_start3A_5 = tpu.memref_slice %arg7[%dma_start3A, %dma_start3A_3, %dma_start3A_4] : memref<4x256x16xf32, #tpu.memory_space<vmem>> -> memref<1x256x16xf32, #tpu.memory_space<vmem>>
    %dma_start3A_6 = tpu.memref_squeeze %dma_start3A_5 : memref<1x256x16xf32, #tpu.memory_space<vmem>> -> memref<256x16xf32, #tpu.memory_space<vmem>>
    %dma_start3A_7 = arith.constant 0 : i32
    %dma_start3A_8 = tpu.memref_slice %arg6[%dma_start3A_7] : memref<13312xi32, #tpu.memory_space<vmem>> -> memref<256xi32, #tpu.memory_space<vmem>>
    %dma_start3A_9 = arith.constant 0 : i32
    %dma_start3A_10 = arith.constant 0 : i32
    %dma_start3A_11 = tpu.memref_slice %arg3[%dma_start3A_9, %dma_start3A_10] : memref<1000000x16xf32, #tpu.memory_space<hbm>> -> memref<1000000x16xf32, #tpu.memory_space<hbm>>
    tpu.enqueue_indirect_dma source(%dma_start3A_11 : memref<1000000x16xf32, #tpu.memory_space<hbm>>) target(%dma_start3A_6 : memref<256x16xf32, #tpu.memory_space<vmem>>) offsets(%dma_start3A_8 : memref<256xi32, #tpu.memory_space<vmem>>) semaphore(%arg9 : memref<!tpu.dma_semaphore, #tpu.memory_space<semaphore_mem>>)
    %dma_start3A_12 = arith.constant 0 : i32
    %dma_start3A_13 = arith.constant 0 : i32
    %dma_start3A_14 = arith.constant 0 : i32
    %dma_start3A_15 = tpu.memref_slice %arg8[%dma_start3A_12, %dma_start3A_13, %dma_start3A_14] : memref<4x256x16xf32, #tpu.memory_space<vmem>> -> memref<1x256x16xf32, #tpu.memory_space<vmem>>
    %dma_start3A_16 = tpu.memref_squeeze %dma_start3A_15 : memref<1x256x16xf32, #tpu.memory_space<vmem>> -> memref<256x16xf32, #tpu.memory_space<vmem>>
    %dma_start3A_17 = arith.constant 0 : i32
    %dma_start3A_18 = tpu.memref_slice %arg6[%dma_start3A_17] : memref<13312xi32, #tpu.memory_space<vmem>> -> memref<256xi32, #tpu.memory_space<vmem>>
    %dma_start3A_19 = arith.constant 0 : i32
    %dma_start3A_20 = arith.constant 0 : i32
    %dma_start3A_21 = tpu.memref_slice %arg4[%dma_start3A_19, %dma_start3A_20] : memref<1000000x16xf32, #tpu.memory_space<hbm>> -> memref<1000000x16xf32, #tpu.memory_space<hbm>>
    tpu.enqueue_indirect_dma source(%dma_start3A_21 : memref<1000000x16xf32, #tpu.memory_space<hbm>>) target(%dma_start3A_16 : memref<256x16xf32, #tpu.memory_space<vmem>>) offsets(%dma_start3A_18 : memref<256xi32, #tpu.memory_space<vmem>>) semaphore(%arg9 : memref<!tpu.dma_semaphore, #tpu.memory_space<semaphore_mem>>)
    %dma_start3A_22 = arith.constant 1 : i32
    %dma_start3A_23 = arith.constant 0 : i32
    %dma_start3A_24 = arith.constant 0 : i32
    %dma_start3A_25 = tpu.memref_slice %arg7[%dma_start3A_22, %dma_start3A_23, %dma_start3A_24] : memref<4x256x16xf32, #tpu.memory_space<vmem>> -> memref<1x256x16xf32, #tpu.memory_space<vmem>>
    %dma_start3A_26 = tpu.memref_squeeze %dma_start3A_25 : memref<1x256x16xf32, #tpu.memory_space<vmem>> -> memref<256x16xf32, #tpu.memory_space<vmem>>
    %dma_start3A_27 = arith.constant 256 : i32
    %dma_start3A_28 = tpu.memref_slice %arg6[%dma_start3A_27] : memref<13312xi32, #tpu.memory_space<vmem>> -> memref<256xi32, #tpu.memory_space<vmem>>
    %dma_start3A_29 = arith.constant 0 : i32
    %dma_start3A_30 = arith.constant 0 : i32
    %dma_start3A_31 = tpu.memref_slice %arg3[%dma_start3A_29, %dma_start3A_30] : memref<1000000x16xf32, #tpu.memory_space<hbm>> -> memref<1000000x16xf32, #tpu.memory_space<hbm>>
    tpu.enqueue_indirect_dma source(%dma_start3A_31 : memref<1000000x16xf32, #tpu.memory_space<hbm>>) target(%dma_start3A_26 : memref<256x16xf32, #tpu.memory_space<vmem>>) offsets(%dma_start3A_28 : memref<256xi32, #tpu.memory_space<vmem>>) semaphore(%arg10 : memref<!tpu.dma_semaphore, #tpu.memory_space<semaphore_mem>>)
    %dma_start3A_32 = arith.constant 1 : i32
    %dma_start3A_33 = arith.constant 0 : i32
    %dma_start3A_34 = arith.constant 0 : i32
    %dma_start3A_35 = tpu.memref_slice %arg8[%dma_start3A_32, %dma_start3A_33, %dma_start3A_34] : memref<4x256x16xf32, #tpu.memory_space<vmem>> -> memref<1x256x16xf32, #tpu.memory_space<vmem>>
    %dma_start3A_36 = tpu.memref_squeeze %dma_start3A_35 : memref<1x256x16xf32, #tpu.memory_space<vmem>> -> memref<256x16xf32, #tpu.memory_space<vmem>>
    %dma_start3A_37 = arith.constant 256 : i32
    %dma_start3A_38 = tpu.memref_slice %arg6[%dma_start3A_37] : memref<13312xi32, #tpu.memory_space<vmem>> -> memref<256xi32, #tpu.memory_space<vmem>>
    %dma_start3A_39 = arith.constant 0 : i32
    %dma_start3A_40 = arith.constant 0 : i32
    %dma_start3A_41 = tpu.memref_slice %arg4[%dma_start3A_39, %dma_start3A_40] : memref<1000000x16xf32, #tpu.memory_space<hbm>> -> memref<1000000x16xf32, #tpu.memory_space<hbm>>
    tpu.enqueue_indirect_dma source(%dma_start3A_41 : memref<1000000x16xf32, #tpu.memory_space<hbm>>) target(%dma_start3A_36 : memref<256x16xf32, #tpu.memory_space<vmem>>) offsets(%dma_start3A_38 : memref<256xi32, #tpu.memory_space<vmem>>) semaphore(%arg10 : memref<!tpu.dma_semaphore, #tpu.memory_space<semaphore_mem>>)
    %scan3A = arith.constant 0 : i32
    %scan3A_42 = arith.constant 0 : i32
    %scan3A_43 = arith.constant 13 : i32
    %scan3A_44 = arith.addi %scan3A_42, %scan3A_43 : i32
    %scan3A_45 = arith.constant 1 : i32
    scf.for %scan3A_114 = %scan3A_42 to %scan3A_44 step %scan3A_45  : i32 {
      %mul3A_115 = arith.constant 4 : i32
      %mul3A_116 = arith.muli %scan3A_114, %mul3A_115 : i32
      %add3A_117 = arith.constant 0 : i32
      %add3A_118 = arith.addi %mul3A_116, %add3A_117 : i32
      %mul3A_119 = arith.constant 256 : i32
      %mul3A_120 = arith.muli %add3A_118, %mul3A_119 : i32
      %dma_wait3A_121 = arith.constant 0 : i32
      %dma_wait3A_122 = arith.constant 0 : i32
      %dma_wait3A_123 = arith.constant 0 : i32
      %dma_wait3A_124 = tpu.memref_slice %arg7[%dma_wait3A_121, %dma_wait3A_122, %dma_wait3A_123] : memref<4x256x16xf32, #tpu.memory_space<vmem>> -> memref<1x256x16xf32, #tpu.memory_space<vmem>>
      %dma_wait3A_125 = tpu.memref_squeeze %dma_wait3A_124 : memref<1x256x16xf32, #tpu.memory_space<vmem>> -> memref<256x16xf32, #tpu.memory_space<vmem>>
      %dma_wait3A_126 = tpu.memref_slice %arg6[%mul3A_120] : memref<13312xi32, #tpu.memory_space<vmem>> -> memref<256xi32, #tpu.memory_space<vmem>>
      %dma_wait3A_127 = arith.constant 0 : i32
      %dma_wait3A_128 = arith.constant 0 : i32
      %dma_wait3A_129 = tpu.memref_slice %arg3[%dma_wait3A_127, %dma_wait3A_128] : memref<1000000x16xf32, #tpu.memory_space<hbm>> -> memref<1000000x16xf32, #tpu.memory_space<hbm>>
      tpu.wait_indirect_dma semaphore(%arg9 : memref<!tpu.dma_semaphore, #tpu.memory_space<semaphore_mem>>) src(%dma_wait3A_129 : memref<1000000x16xf32, #tpu.memory_space<hbm>>) dst(%dma_wait3A_125 : memref<256x16xf32, #tpu.memory_space<vmem>>)
      %dma_wait3A_130 = arith.constant 0 : i32
      %dma_wait3A_131 = arith.constant 0 : i32
      %dma_wait3A_132 = arith.constant 0 : i32
      %dma_wait3A_133 = tpu.memref_slice %arg8[%dma_wait3A_130, %dma_wait3A_131, %dma_wait3A_132] : memref<4x256x16xf32, #tpu.memory_space<vmem>> -> memref<1x256x16xf32, #tpu.memory_space<vmem>>
      %dma_wait3A_134 = tpu.memref_squeeze %dma_wait3A_133 : memref<1x256x16xf32, #tpu.memory_space<vmem>> -> memref<256x16xf32, #tpu.memory_space<vmem>>
      %dma_wait3A_135 = tpu.memref_slice %arg6[%mul3A_120] : memref<13312xi32, #tpu.memory_space<vmem>> -> memref<256xi32, #tpu.memory_space<vmem>>
      %dma_wait3A_136 = arith.constant 0 : i32
      %dma_wait3A_137 = arith.constant 0 : i32
      %dma_wait3A_138 = tpu.memref_slice %arg4[%dma_wait3A_136, %dma_wait3A_137] : memref<1000000x16xf32, #tpu.memory_space<hbm>> -> memref<1000000x16xf32, #tpu.memory_space<hbm>>
      tpu.wait_indirect_dma semaphore(%arg9 : memref<!tpu.dma_semaphore, #tpu.memory_space<semaphore_mem>>) src(%dma_wait3A_138 : memref<1000000x16xf32, #tpu.memory_space<hbm>>) dst(%dma_wait3A_134 : memref<256x16xf32, #tpu.memory_space<vmem>>)
      %mul3A_139 = arith.constant 256 : i32
      %mul3A_140 = arith.muli %add3A_118, %mul3A_139 : i32
      %add3A_141 = arith.addi %mul3A_2, %mul3A_140 : i32
      %dma_start3A_142 = arith.constant 0 : i32
      %dma_start3A_143 = arith.constant 0 : i32
      %dma_start3A_144 = arith.constant 0 : i32
      %dma_start3A_145 = arith.constant 0 : i32
      %dma_start3A_146 = tpu.memref_slice %arg7[%dma_start3A_142, %dma_start3A_144, %dma_start3A_145] : memref<4x256x16xf32, #tpu.memory_space<vmem>> -> memref<1x256x16xf32, #tpu.memory_space<vmem>>
      %dma_start3A_147 = tpu.memref_squeeze %dma_start3A_146 : memref<1x256x16xf32, #tpu.memory_space<vmem>> -> memref<256x16xf32, #tpu.memory_space<vmem>>
      %dma_start3A_148 = arith.constant 0 : i32
      %dma_start3A_149 = tpu.memref_slice %arg5[%add3A_141, %dma_start3A_143, %dma_start3A_148] : memref<425984x2x16xf32, #tpu.memory_space<hbm>> -> memref<256x1x16xf32, #tpu.memory_space<hbm>>
      %dma_start3A_150 = tpu.memref_squeeze %dma_start3A_149 : memref<256x1x16xf32, #tpu.memory_space<hbm>> -> memref<256x16xf32, #tpu.memory_space<hbm>>
      %dma_start3A_151 = arith.constant 0 : i32
      %dma_start3A_152 = tpu.memref_slice %arg5[%add3A_141, %dma_start3A_143, %dma_start3A_151] : memref<425984x2x16xf32, #tpu.memory_space<hbm>> -> memref<256x1x16xf32, #tpu.memory_space<hbm>>
      %dma_start3A_153 = tpu.memref_squeeze %dma_start3A_152 : memref<256x1x16xf32, #tpu.memory_space<hbm>> -> memref<256x16xf32, #tpu.memory_space<hbm>>
      %dma_start3A_154 = arith.constant 0 : i32
      %dma_start3A_155 = arith.constant 0 : i32
      %dma_start3A_156 = tpu.memref_slice %arg7[%dma_start3A_142, %dma_start3A_154, %dma_start3A_155] : memref<4x256x16xf32, #tpu.memory_space<vmem>> -> memref<1x256x16xf32, #tpu.memory_space<vmem>>
      %dma_start3A_157 = tpu.memref_squeeze %dma_start3A_156 : memref<1x256x16xf32, #tpu.memory_space<vmem>> -> memref<256x16xf32, #tpu.memory_space<vmem>>
      tpu.enqueue_dma source(%dma_start3A_157 : memref<256x16xf32, #tpu.memory_space<vmem>>) target(%dma_start3A_153 : memref<256x16xf32, #tpu.memory_space<hbm>>) target_semaphore(%arg13 : memref<!tpu.dma_semaphore, #tpu.memory_space<semaphore_mem>>)
      %dma_start3A_158 = arith.constant 0 : i32
      %dma_start3A_159 = arith.constant 1 : i32
      %dma_start3A_160 = arith.constant 0 : i32
      %dma_start3A_161 = arith.constant 0 : i32
      %dma_start3A_162 = tpu.memref_slice %arg8[%dma_start3A_158, %dma_start3A_160, %dma_start3A_161] : memref<4x256x16xf32, #tpu.memory_space<vmem>> -> memref<1x256x16xf32, #tpu.memory_space<vmem>>
      %dma_start3A_163 = tpu.memref_squeeze %dma_start3A_162 : memref<1x256x16xf32, #tpu.memory_space<vmem>> -> memref<256x16xf32, #tpu.memory_space<vmem>>
      %dma_start3A_164 = arith.constant 0 : i32
      %dma_start3A_165 = tpu.memref_slice %arg5[%add3A_141, %dma_start3A_159, %dma_start3A_164] : memref<425984x2x16xf32, #tpu.memory_space<hbm>> -> memref<256x1x16xf32, #tpu.memory_space<hbm>>
      %dma_start3A_166 = tpu.memref_squeeze %dma_start3A_165 : memref<256x1x16xf32, #tpu.memory_space<hbm>> -> memref<256x16xf32, #tpu.memory_space<hbm>>
      %dma_start3A_167 = arith.constant 0 : i32
      %dma_start3A_168 = tpu.memref_slice %arg5[%add3A_141, %dma_start3A_159, %dma_start3A_167] : memref<425984x2x16xf32, #tpu.memory_space<hbm>> -> memref<256x1x16xf32, #tpu.memory_space<hbm>>
      %dma_start3A_169 = tpu.memref_squeeze %dma_start3A_168 : memref<256x1x16xf32, #tpu.memory_space<hbm>> -> memref<256x16xf32, #tpu.memory_space<hbm>>
      %dma_start3A_170 = arith.constant 0 : i32
      %dma_start3A_171 = arith.constant 0 : i32
      %dma_start3A_172 = tpu.memref_slice %arg8[%dma_start3A_158, %dma_start3A_170, %dma_start3A_171] : memref<4x256x16xf32, #tpu.memory_space<vmem>> -> memref<1x256x16xf32, #tpu.memory_space<vmem>>
      %dma_start3A_173 = tpu.memref_squeeze %dma_start3A_172 : memref<1x256x16xf32, #tpu.memory_space<vmem>> -> memref<256x16xf32, #tpu.memory_space<vmem>>
      tpu.enqueue_dma source(%dma_start3A_173 : memref<256x16xf32, #tpu.memory_space<vmem>>) target(%dma_start3A_169 : memref<256x16xf32, #tpu.memory_space<hbm>>) target_semaphore(%arg13 : memref<!tpu.dma_semaphore, #tpu.memory_space<semaphore_mem>>)
      %ge3A = arith.constant 2 : i32
      %ge3A_174 = arith.cmpi sge, %add3A_118, %ge3A : i32
      %convert_element_type3A = arith.extui %ge3A_174 : i1 to i32
      %cond3A = arith.constant 0 : i32
      %cond3A_175 = arith.cmpi ne, %convert_element_type3A, %cond3A : i32
      scf.if %cond3A_175 {
        %sub3A = arith.constant 2 : i32
        %sub3A_395 = arith.subi %add3A_118, %sub3A : i32
        %mul3A_396 = arith.constant 256 : i32
        %mul3A_397 = arith.muli %sub3A_395, %mul3A_396 : i32
        %add3A_398 = arith.addi %mul3A_2, %mul3A_397 : i32
        %dma_wait3A_399 = arith.constant 2 : i32
        %dma_wait3A_400 = arith.constant 0 : i32
        %dma_wait3A_401 = arith.constant 0 : i32
        %dma_wait3A_402 = arith.constant 0 : i32
        %dma_wait3A_403 = tpu.memref_slice %arg7[%dma_wait3A_399, %dma_wait3A_401, %dma_wait3A_402] : memref<4x256x16xf32, #tpu.memory_space<vmem>> -> memref<1x256x16xf32, #tpu.memory_space<vmem>>
        %dma_wait3A_404 = tpu.memref_squeeze %dma_wait3A_403 : memref<1x256x16xf32, #tpu.memory_space<vmem>> -> memref<256x16xf32, #tpu.memory_space<vmem>>
        %dma_wait3A_405 = arith.constant 0 : i32
        %dma_wait3A_406 = tpu.memref_slice %arg5[%add3A_398, %dma_wait3A_400, %dma_wait3A_405] : memref<425984x2x16xf32, #tpu.memory_space<hbm>> -> memref<256x1x16xf32, #tpu.memory_space<hbm>>
        %dma_wait3A_407 = tpu.memref_squeeze %dma_wait3A_406 : memref<256x1x16xf32, #tpu.memory_space<hbm>> -> memref<256x16xf32, #tpu.memory_space<hbm>>
        %dma_wait3A_408 = arith.constant 0 : i32
        %dma_wait3A_409 = tpu.memref_slice %arg5[%add3A_398, %dma_wait3A_400, %dma_wait3A_408] : memref<425984x2x16xf32, #tpu.memory_space<hbm>> -> memref<256x1x16xf32, #tpu.memory_space<hbm>>
        %dma_wait3A_410 = tpu.memref_squeeze %dma_wait3A_409 : memref<256x1x16xf32, #tpu.memory_space<hbm>> -> memref<256x16xf32, #tpu.memory_space<hbm>>
        %dma_wait3A_411 = arith.constant 0 : i32
        %dma_wait3A_412 = arith.constant 0 : i32
        %dma_wait3A_413 = tpu.memref_slice %arg7[%dma_wait3A_399, %dma_wait3A_411, %dma_wait3A_412] : memref<4x256x16xf32, #tpu.memory_space<vmem>> -> memref<1x256x16xf32, #tpu.memory_space<vmem>>
        %dma_wait3A_414 = tpu.memref_squeeze %dma_wait3A_413 : memref<1x256x16xf32, #tpu.memory_space<vmem>> -> memref<256x16xf32, #tpu.memory_space<vmem>>
        tpu.wait_dma2 semaphore(%arg15 : memref<!tpu.dma_semaphore, #tpu.memory_space<semaphore_mem>>) src(%dma_wait3A_414 : memref<256x16xf32, #tpu.memory_space<vmem>>) dst(%dma_wait3A_410 : memref<256x16xf32, #tpu.memory_space<hbm>>)
        %dma_wait3A_415 = arith.constant 2 : i32
        %dma_wait3A_416 = arith.constant 1 : i32
        %dma_wait3A_417 = arith.constant 0 : i32
        %dma_wait3A_418 = arith.constant 0 : i32
        %dma_wait3A_419 = tpu.memref_slice %arg8[%dma_wait3A_415, %dma_wait3A_417, %dma_wait3A_418] : memref<4x256x16xf32, #tpu.memory_space<vmem>> -> memref<1x256x16xf32, #tpu.memory_space<vmem>>
        %dma_wait3A_420 = tpu.memref_squeeze %dma_wait3A_419 : memref<1x256x16xf32, #tpu.memory_space<vmem>> -> memref<256x16xf32, #tpu.memory_space<vmem>>
        %dma_wait3A_421 = arith.constant 0 : i32
        %dma_wait3A_422 = tpu.memref_slice %arg5[%add3A_398, %dma_wait3A_416, %dma_wait3A_421] : memref<425984x2x16xf32, #tpu.memory_space<hbm>> -> memref<256x1x16xf32, #tpu.memory_space<hbm>>
        %dma_wait3A_423 = tpu.memref_squeeze %dma_wait3A_422 : memref<256x1x16xf32, #tpu.memory_space<hbm>> -> memref<256x16xf32, #tpu.memory_space<hbm>>
        %dma_wait3A_424 = arith.constant 0 : i32
        %dma_wait3A_425 = tpu.memref_slice %arg5[%add3A_398, %dma_wait3A_416, %dma_wait3A_424] : memref<425984x2x16xf32, #tpu.memory_space<hbm>> -> memref<256x1x16xf32, #tpu.memory_space<hbm>>
        %dma_wait3A_426 = tpu.memref_squeeze %dma_wait3A_425 : memref<256x1x16xf32, #tpu.memory_space<hbm>> -> memref<256x16xf32, #tpu.memory_space<hbm>>
        %dma_wait3A_427 = arith.constant 0 : i32
        %dma_wait3A_428 = arith.constant 0 : i32
        %dma_wait3A_429 = tpu.memref_slice %arg8[%dma_wait3A_415, %dma_wait3A_427, %dma_wait3A_428] : memref<4x256x16xf32, #tpu.memory_space<vmem>> -> memref<1x256x16xf32, #tpu.memory_space<vmem>>
        %dma_wait3A_430 = tpu.memref_squeeze %dma_wait3A_429 : memref<1x256x16xf32, #tpu.memory_space<vmem>> -> memref<256x16xf32, #tpu.memory_space<vmem>>
        tpu.wait_dma2 semaphore(%arg15 : memref<!tpu.dma_semaphore, #tpu.memory_space<semaphore_mem>>) src(%dma_wait3A_430 : memref<256x16xf32, #tpu.memory_space<vmem>>) dst(%dma_wait3A_426 : memref<256x16xf32, #tpu.memory_space<hbm>>)
      } else {
      }
      %add3A_176 = arith.constant 2 : i32
      %add3A_177 = arith.addi %add3A_118, %add3A_176 : i32
      %lt3A = arith.constant 52 : i32
      %lt3A_178 = arith.cmpi slt, %add3A_177, %lt3A : i32
      %convert_element_type3A_179 = arith.extui %lt3A_178 : i1 to i32
      %cond3A_180 = arith.constant 0 : i32
      %cond3A_181 = arith.cmpi ne, %convert_element_type3A_179, %cond3A_180 : i32
      scf.if %cond3A_181 {
        %add3A_395 = arith.constant 2 : i32
        %add3A_396 = arith.addi %add3A_118, %add3A_395 : i32
        %mul3A_397 = arith.constant 256 : i32
        %mul3A_398 = arith.muli %add3A_396, %mul3A_397 : i32
        %dma_start3A_399 = arith.constant 2 : i32
        %dma_start3A_400 = arith.constant 0 : i32
        %dma_start3A_401 = arith.constant 0 : i32
        %dma_start3A_402 = tpu.memref_slice %arg7[%dma_start3A_399, %dma_start3A_400, %dma_start3A_401] : memref<4x256x16xf32, #tpu.memory_space<vmem>> -> memref<1x256x16xf32, #tpu.memory_space<vmem>>
        %dma_start3A_403 = tpu.memref_squeeze %dma_start3A_402 : memref<1x256x16xf32, #tpu.memory_space<vmem>> -> memref<256x16xf32, #tpu.memory_space<vmem>>
        %dma_start3A_404 = tpu.memref_slice %arg6[%mul3A_398] : memref<13312xi32, #tpu.memory_space<vmem>> -> memref<256xi32, #tpu.memory_space<vmem>>
        %dma_start3A_405 = arith.constant 0 : i32
        %dma_start3A_406 = arith.constant 0 : i32
        %dma_start3A_407 = tpu.memref_slice %arg3[%dma_start3A_405, %dma_start3A_406] : memref<1000000x16xf32, #tpu.memory_space<hbm>> -> memref<1000000x16xf32, #tpu.memory_space<hbm>>
        tpu.enqueue_indirect_dma source(%dma_start3A_407 : memref<1000000x16xf32, #tpu.memory_space<hbm>>) target(%dma_start3A_403 : memref<256x16xf32, #tpu.memory_space<vmem>>) offsets(%dma_start3A_404 : memref<256xi32, #tpu.memory_space<vmem>>) semaphore(%arg11 : memref<!tpu.dma_semaphore, #tpu.memory_space<semaphore_mem>>)
        %dma_start3A_408 = arith.constant 2 : i32
        %dma_start3A_409 = arith.constant 0 : i32
        %dma_start3A_410 = arith.constant 0 : i32
        %dma_start3A_411 = tpu.memref_slice %arg8[%dma_start3A_408, %dma_start3A_409, %dma_start3A_410] : memref<4x256x16xf32, #tpu.memory_space<vmem>> -> memref<1x256x16xf32, #tpu.memory_space<vmem>>
        %dma_start3A_412 = tpu.memref_squeeze %dma_start3A_411 : memref<1x256x16xf32, #tpu.memory_space<vmem>> -> memref<256x16xf32, #tpu.memory_space<vmem>>
        %dma_start3A_413 = tpu.memref_slice %arg6[%mul3A_398] : memref<13312xi32, #tpu.memory_space<vmem>> -> memref<256xi32, #tpu.memory_space<vmem>>
        %dma_start3A_414 = arith.constant 0 : i32
        %dma_start3A_415 = arith.constant 0 : i32
        %dma_start3A_416 = tpu.memref_slice %arg4[%dma_start3A_414, %dma_start3A_415] : memref<1000000x16xf32, #tpu.memory_space<hbm>> -> memref<1000000x16xf32, #tpu.memory_space<hbm>>
        tpu.enqueue_indirect_dma source(%dma_start3A_416 : memref<1000000x16xf32, #tpu.memory_space<hbm>>) target(%dma_start3A_412 : memref<256x16xf32, #tpu.memory_space<vmem>>) offsets(%dma_start3A_413 : memref<256xi32, #tpu.memory_space<vmem>>) semaphore(%arg11 : memref<!tpu.dma_semaphore, #tpu.memory_space<semaphore_mem>>)
      } else {
      }
      %mul3A_182 = arith.constant 4 : i32
      %mul3A_183 = arith.muli %scan3A_114, %mul3A_182 : i32
      %add3A_184 = arith.constant 1 : i32
      %add3A_185 = arith.addi %mul3A_183, %add3A_184 : i32
      %mul3A_186 = arith.constant 256 : i32
      %mul3A_187 = arith.muli %add3A_185, %mul3A_186 : i32
      %dma_wait3A_188 = arith.constant 1 : i32
      %dma_wait3A_189 = arith.constant 0 : i32
      %dma_wait3A_190 = arith.constant 0 : i32
      %dma_wait3A_191 = tpu.memref_slice %arg7[%dma_wait3A_188, %dma_wait3A_189, %dma_wait3A_190] : memref<4x256x16xf32, #tpu.memory_space<vmem>> -> memref<1x256x16xf32, #tpu.memory_space<vmem>>
      %dma_wait3A_192 = tpu.memref_squeeze %dma_wait3A_191 : memref<1x256x16xf32, #tpu.memory_space<vmem>> -> memref<256x16xf32, #tpu.memory_space<vmem>>
      %dma_wait3A_193 = tpu.memref_slice %arg6[%mul3A_187] : memref<13312xi32, #tpu.memory_space<vmem>> -> memref<256xi32, #tpu.memory_space<vmem>>
      %dma_wait3A_194 = arith.constant 0 : i32
      %dma_wait3A_195 = arith.constant 0 : i32
      %dma_wait3A_196 = tpu.memref_slice %arg3[%dma_wait3A_194, %dma_wait3A_195] : memref<1000000x16xf32, #tpu.memory_space<hbm>> -> memref<1000000x16xf32, #tpu.memory_space<hbm>>
      tpu.wait_indirect_dma semaphore(%arg10 : memref<!tpu.dma_semaphore, #tpu.memory_space<semaphore_mem>>) src(%dma_wait3A_196 : memref<1000000x16xf32, #tpu.memory_space<hbm>>) dst(%dma_wait3A_192 : memref<256x16xf32, #tpu.memory_space<vmem>>)
      %dma_wait3A_197 = arith.constant 1 : i32
      %dma_wait3A_198 = arith.constant 0 : i32
      %dma_wait3A_199 = arith.constant 0 : i32
      %dma_wait3A_200 = tpu.memref_slice %arg8[%dma_wait3A_197, %dma_wait3A_198, %dma_wait3A_199] : memref<4x256x16xf32, #tpu.memory_space<vmem>> -> memref<1x256x16xf32, #tpu.memory_space<vmem>>
      %dma_wait3A_201 = tpu.memref_squeeze %dma_wait3A_200 : memref<1x256x16xf32, #tpu.memory_space<vmem>> -> memref<256x16xf32, #tpu.memory_space<vmem>>
      %dma_wait3A_202 = tpu.memref_slice %arg6[%mul3A_187] : memref<13312xi32, #tpu.memory_space<vmem>> -> memref<256xi32, #tpu.memory_space<vmem>>
      %dma_wait3A_203 = arith.constant 0 : i32
      %dma_wait3A_204 = arith.constant 0 : i32
      %dma_wait3A_205 = tpu.memref_slice %arg4[%dma_wait3A_203, %dma_wait3A_204] : memref<1000000x16xf32, #tpu.memory_space<hbm>> -> memref<1000000x16xf32, #tpu.memory_space<hbm>>
      tpu.wait_indirect_dma semaphore(%arg10 : memref<!tpu.dma_semaphore, #tpu.memory_space<semaphore_mem>>) src(%dma_wait3A_205 : memref<1000000x16xf32, #tpu.memory_space<hbm>>) dst(%dma_wait3A_201 : memref<256x16xf32, #tpu.memory_space<vmem>>)
      %mul3A_206 = arith.constant 256 : i32
      %mul3A_207 = arith.muli %add3A_185, %mul3A_206 : i32
      %add3A_208 = arith.addi %mul3A_2, %mul3A_207 : i32
      %dma_start3A_209 = arith.constant 1 : i32
      %dma_start3A_210 = arith.constant 0 : i32
      %dma_start3A_211 = arith.constant 0 : i32
      %dma_start3A_212 = arith.constant 0 : i32
      %dma_start3A_213 = tpu.memref_slice %arg7[%dma_start3A_209, %dma_start3A_211, %dma_start3A_212] : memref<4x256x16xf32, #tpu.memory_space<vmem>> -> memref<1x256x16xf32, #tpu.memory_space<vmem>>
      %dma_start3A_214 = tpu.memref_squeeze %dma_start3A_213 : memref<1x256x16xf32, #tpu.memory_space<vmem>> -> memref<256x16xf32, #tpu.memory_space<vmem>>
      %dma_start3A_215 = arith.constant 0 : i32
      %dma_start3A_216 = tpu.memref_slice %arg5[%add3A_208, %dma_start3A_210, %dma_start3A_215] : memref<425984x2x16xf32, #tpu.memory_space<hbm>> -> memref<256x1x16xf32, #tpu.memory_space<hbm>>
      %dma_start3A_217 = tpu.memref_squeeze %dma_start3A_216 : memref<256x1x16xf32, #tpu.memory_space<hbm>> -> memref<256x16xf32, #tpu.memory_space<hbm>>
      %dma_start3A_218 = arith.constant 0 : i32
      %dma_start3A_219 = tpu.memref_slice %arg5[%add3A_208, %dma_start3A_210, %dma_start3A_218] : memref<425984x2x16xf32, #tpu.memory_space<hbm>> -> memref<256x1x16xf32, #tpu.memory_space<hbm>>
      %dma_start3A_220 = tpu.memref_squeeze %dma_start3A_219 : memref<256x1x16xf32, #tpu.memory_space<hbm>> -> memref<256x16xf32, #tpu.memory_space<hbm>>
      %dma_start3A_221 = arith.constant 0 : i32
      %dma_start3A_222 = arith.constant 0 : i32
      %dma_start3A_223 = tpu.memref_slice %arg7[%dma_start3A_209, %dma_start3A_221, %dma_start3A_222] : memref<4x256x16xf32, #tpu.memory_space<vmem>> -> memref<1x256x16xf32, #tpu.memory_space<vmem>>
      %dma_start3A_224 = tpu.memref_squeeze %dma_start3A_223 : memref<1x256x16xf32, #tpu.memory_space<vmem>> -> memref<256x16xf32, #tpu.memory_space<vmem>>
      tpu.enqueue_dma source(%dma_start3A_224 : memref<256x16xf32, #tpu.memory_space<vmem>>) target(%dma_start3A_220 : memref<256x16xf32, #tpu.memory_space<hbm>>) target_semaphore(%arg14 : memref<!tpu.dma_semaphore, #tpu.memory_space<semaphore_mem>>)
      %dma_start3A_225 = arith.constant 1 : i32
      %dma_start3A_226 = arith.constant 1 : i32
      %dma_start3A_227 = arith.constant 0 : i32
      %dma_start3A_228 = arith.constant 0 : i32
      %dma_start3A_229 = tpu.memref_slice %arg8[%dma_start3A_225, %dma_start3A_227, %dma_start3A_228] : memref<4x256x16xf32, #tpu.memory_space<vmem>> -> memref<1x256x16xf32, #tpu.memory_space<vmem>>
      %dma_start3A_230 = tpu.memref_squeeze %dma_start3A_229 : memref<1x256x16xf32, #tpu.memory_space<vmem>> -> memref<256x16xf32, #tpu.memory_space<vmem>>
      %dma_start3A_231 = arith.constant 0 : i32
      %dma_start3A_232 = tpu.memref_slice %arg5[%add3A_208, %dma_start3A_226, %dma_start3A_231] : memref<425984x2x16xf32, #tpu.memory_space<hbm>> -> memref<256x1x16xf32, #tpu.memory_space<hbm>>
      %dma_start3A_233 = tpu.memref_squeeze %dma_start3A_232 : memref<256x1x16xf32, #tpu.memory_space<hbm>> -> memref<256x16xf32, #tpu.memory_space<hbm>>
      %dma_start3A_234 = arith.constant 0 : i32
      %dma_start3A_235 = tpu.memref_slice %arg5[%add3A_208, %dma_start3A_226, %dma_start3A_234] : memref<425984x2x16xf32, #tpu.memory_space<hbm>> -> memref<256x1x16xf32, #tpu.memory_space<hbm>>
      %dma_start3A_236 = tpu.memref_squeeze %dma_start3A_235 : memref<256x1x16xf32, #tpu.memory_space<hbm>> -> memref<256x16xf32, #tpu.memory_space<hbm>>
      %dma_start3A_237 = arith.constant 0 : i32
      %dma_start3A_238 = arith.constant 0 : i32
      %dma_start3A_239 = tpu.memref_slice %arg8[%dma_start3A_225, %dma_start3A_237, %dma_start3A_238] : memref<4x256x16xf32, #tpu.memory_space<vmem>> -> memref<1x256x16xf32, #tpu.memory_space<vmem>>
      %dma_start3A_240 = tpu.memref_squeeze %dma_start3A_239 : memref<1x256x16xf32, #tpu.memory_space<vmem>> -> memref<256x16xf32, #tpu.memory_space<vmem>>
      tpu.enqueue_dma source(%dma_start3A_240 : memref<256x16xf32, #tpu.memory_space<vmem>>) target(%dma_start3A_236 : memref<256x16xf32, #tpu.memory_space<hbm>>) target_semaphore(%arg14 : memref<!tpu.dma_semaphore, #tpu.memory_space<semaphore_mem>>)
      %ge3A_241 = arith.constant 2 : i32
      %ge3A_242 = arith.cmpi sge, %add3A_185, %ge3A_241 : i32
      %convert_element_type3A_243 = arith.extui %ge3A_242 : i1 to i32
      %cond3A_244 = arith.constant 0 : i32
      %cond3A_245 = arith.cmpi ne, %convert_element_type3A_243, %cond3A_244 : i32
      scf.if %cond3A_245 {
        %sub3A = arith.constant 2 : i32
        %sub3A_395 = arith.subi %add3A_185, %sub3A : i32
        %mul3A_396 = arith.constant 256 : i32
        %mul3A_397 = arith.muli %sub3A_395, %mul3A_396 : i32
        %add3A_398 = arith.addi %mul3A_2, %mul3A_397 : i32
        %dma_wait3A_399 = arith.constant 3 : i32
        %dma_wait3A_400 = arith.constant 0 : i32
        %dma_wait3A_401 = arith.constant 0 : i32
        %dma_wait3A_402 = arith.constant 0 : i32
        %dma_wait3A_403 = tpu.memref_slice %arg7[%dma_wait3A_399, %dma_wait3A_401, %dma_wait3A_402] : memref<4x256x16xf32, #tpu.memory_space<vmem>> -> memref<1x256x16xf32, #tpu.memory_space<vmem>>
        %dma_wait3A_404 = tpu.memref_squeeze %dma_wait3A_403 : memref<1x256x16xf32, #tpu.memory_space<vmem>> -> memref<256x16xf32, #tpu.memory_space<vmem>>
        %dma_wait3A_405 = arith.constant 0 : i32
        %dma_wait3A_406 = tpu.memref_slice %arg5[%add3A_398, %dma_wait3A_400, %dma_wait3A_405] : memref<425984x2x16xf32, #tpu.memory_space<hbm>> -> memref<256x1x16xf32, #tpu.memory_space<hbm>>
        %dma_wait3A_407 = tpu.memref_squeeze %dma_wait3A_406 : memref<256x1x16xf32, #tpu.memory_space<hbm>> -> memref<256x16xf32, #tpu.memory_space<hbm>>
        %dma_wait3A_408 = arith.constant 0 : i32
        %dma_wait3A_409 = tpu.memref_slice %arg5[%add3A_398, %dma_wait3A_400, %dma_wait3A_408] : memref<425984x2x16xf32, #tpu.memory_space<hbm>> -> memref<256x1x16xf32, #tpu.memory_space<hbm>>
        %dma_wait3A_410 = tpu.memref_squeeze %dma_wait3A_409 : memref<256x1x16xf32, #tpu.memory_space<hbm>> -> memref<256x16xf32, #tpu.memory_space<hbm>>
        %dma_wait3A_411 = arith.constant 0 : i32
        %dma_wait3A_412 = arith.constant 0 : i32
        %dma_wait3A_413 = tpu.memref_slice %arg7[%dma_wait3A_399, %dma_wait3A_411, %dma_wait3A_412] : memref<4x256x16xf32, #tpu.memory_space<vmem>> -> memref<1x256x16xf32, #tpu.memory_space<vmem>>
        %dma_wait3A_414 = tpu.memref_squeeze %dma_wait3A_413 : memref<1x256x16xf32, #tpu.memory_space<vmem>> -> memref<256x16xf32, #tpu.memory_space<vmem>>
        tpu.wait_dma2 semaphore(%arg16 : memref<!tpu.dma_semaphore, #tpu.memory_space<semaphore_mem>>) src(%dma_wait3A_414 : memref<256x16xf32, #tpu.memory_space<vmem>>) dst(%dma_wait3A_410 : memref<256x16xf32, #tpu.memory_space<hbm>>)
        %dma_wait3A_415 = arith.constant 3 : i32
        %dma_wait3A_416 = arith.constant 1 : i32
        %dma_wait3A_417 = arith.constant 0 : i32
        %dma_wait3A_418 = arith.constant 0 : i32
        %dma_wait3A_419 = tpu.memref_slice %arg8[%dma_wait3A_415, %dma_wait3A_417, %dma_wait3A_418] : memref<4x256x16xf32, #tpu.memory_space<vmem>> -> memref<1x256x16xf32, #tpu.memory_space<vmem>>
        %dma_wait3A_420 = tpu.memref_squeeze %dma_wait3A_419 : memref<1x256x16xf32, #tpu.memory_space<vmem>> -> memref<256x16xf32, #tpu.memory_space<vmem>>
        %dma_wait3A_421 = arith.constant 0 : i32
        %dma_wait3A_422 = tpu.memref_slice %arg5[%add3A_398, %dma_wait3A_416, %dma_wait3A_421] : memref<425984x2x16xf32, #tpu.memory_space<hbm>> -> memref<256x1x16xf32, #tpu.memory_space<hbm>>
        %dma_wait3A_423 = tpu.memref_squeeze %dma_wait3A_422 : memref<256x1x16xf32, #tpu.memory_space<hbm>> -> memref<256x16xf32, #tpu.memory_space<hbm>>
        %dma_wait3A_424 = arith.constant 0 : i32
        %dma_wait3A_425 = tpu.memref_slice %arg5[%add3A_398, %dma_wait3A_416, %dma_wait3A_424] : memref<425984x2x16xf32, #tpu.memory_space<hbm>> -> memref<256x1x16xf32, #tpu.memory_space<hbm>>
        %dma_wait3A_426 = tpu.memref_squeeze %dma_wait3A_425 : memref<256x1x16xf32, #tpu.memory_space<hbm>> -> memref<256x16xf32, #tpu.memory_space<hbm>>
        %dma_wait3A_427 = arith.constant 0 : i32
        %dma_wait3A_428 = arith.constant 0 : i32
        %dma_wait3A_429 = tpu.memref_slice %arg8[%dma_wait3A_415, %dma_wait3A_427, %dma_wait3A_428] : memref<4x256x16xf32, #tpu.memory_space<vmem>> -> memref<1x256x16xf32, #tpu.memory_space<vmem>>
        %dma_wait3A_430 = tpu.memref_squeeze %dma_wait3A_429 : memref<1x256x16xf32, #tpu.memory_space<vmem>> -> memref<256x16xf32, #tpu.memory_space<vmem>>
        tpu.wait_dma2 semaphore(%arg16 : memref<!tpu.dma_semaphore, #tpu.memory_space<semaphore_mem>>) src(%dma_wait3A_430 : memref<256x16xf32, #tpu.memory_space<vmem>>) dst(%dma_wait3A_426 : memref<256x16xf32, #tpu.memory_space<hbm>>)
      } else {
      }
      %add3A_246 = arith.constant 2 : i32
      %add3A_247 = arith.addi %add3A_185, %add3A_246 : i32
      %lt3A_248 = arith.constant 52 : i32
      %lt3A_249 = arith.cmpi slt, %add3A_247, %lt3A_248 : i32
      %convert_element_type3A_250 = arith.extui %lt3A_249 : i1 to i32
      %cond3A_251 = arith.constant 0 : i32
      %cond3A_252 = arith.cmpi ne, %convert_element_type3A_250, %cond3A_251 : i32
      scf.if %cond3A_252 {
        %add3A_395 = arith.constant 2 : i32
        %add3A_396 = arith.addi %add3A_185, %add3A_395 : i32
        %mul3A_397 = arith.constant 256 : i32
        %mul3A_398 = arith.muli %add3A_396, %mul3A_397 : i32
        %dma_start3A_399 = arith.constant 3 : i32
        %dma_start3A_400 = arith.constant 0 : i32
        %dma_start3A_401 = arith.constant 0 : i32
        %dma_start3A_402 = tpu.memref_slice %arg7[%dma_start3A_399, %dma_start3A_400, %dma_start3A_401] : memref<4x256x16xf32, #tpu.memory_space<vmem>> -> memref<1x256x16xf32, #tpu.memory_space<vmem>>
        %dma_start3A_403 = tpu.memref_squeeze %dma_start3A_402 : memref<1x256x16xf32, #tpu.memory_space<vmem>> -> memref<256x16xf32, #tpu.memory_space<vmem>>
        %dma_start3A_404 = tpu.memref_slice %arg6[%mul3A_398] : memref<13312xi32, #tpu.memory_space<vmem>> -> memref<256xi32, #tpu.memory_space<vmem>>
        %dma_start3A_405 = arith.constant 0 : i32
        %dma_start3A_406 = arith.constant 0 : i32
        %dma_start3A_407 = tpu.memref_slice %arg3[%dma_start3A_405, %dma_start3A_406] : memref<1000000x16xf32, #tpu.memory_space<hbm>> -> memref<1000000x16xf32, #tpu.memory_space<hbm>>
        tpu.enqueue_indirect_dma source(%dma_start3A_407 : memref<1000000x16xf32, #tpu.memory_space<hbm>>) target(%dma_start3A_403 : memref<256x16xf32, #tpu.memory_space<vmem>>) offsets(%dma_start3A_404 : memref<256xi32, #tpu.memory_space<vmem>>) semaphore(%arg12 : memref<!tpu.dma_semaphore, #tpu.memory_space<semaphore_mem>>)
        %dma_start3A_408 = arith.constant 3 : i32
        %dma_start3A_409 = arith.constant 0 : i32
        %dma_start3A_410 = arith.constant 0 : i32
        %dma_start3A_411 = tpu.memref_slice %arg8[%dma_start3A_408, %dma_start3A_409, %dma_start3A_410] : memref<4x256x16xf32, #tpu.memory_space<vmem>> -> memref<1x256x16xf32, #tpu.memory_space<vmem>>
        %dma_start3A_412 = tpu.memref_squeeze %dma_start3A_411 : memref<1x256x16xf32, #tpu.memory_space<vmem>> -> memref<256x16xf32, #tpu.memory_space<vmem>>
        %dma_start3A_413 = tpu.memref_slice %arg6[%mul3A_398] : memref<13312xi32, #tpu.memory_space<vmem>> -> memref<256xi32, #tpu.memory_space<vmem>>
        %dma_start3A_414 = arith.constant 0 : i32
        %dma_start3A_415 = arith.constant 0 : i32
        %dma_start3A_416 = tpu.memref_slice %arg4[%dma_start3A_414, %dma_start3A_415] : memref<1000000x16xf32, #tpu.memory_space<hbm>> -> memref<1000000x16xf32, #tpu.memory_space<hbm>>
        tpu.enqueue_indirect_dma source(%dma_start3A_416 : memref<1000000x16xf32, #tpu.memory_space<hbm>>) target(%dma_start3A_412 : memref<256x16xf32, #tpu.memory_space<vmem>>) offsets(%dma_start3A_413 : memref<256xi32, #tpu.memory_space<vmem>>) semaphore(%arg12 : memref<!tpu.dma_semaphore, #tpu.memory_space<semaphore_mem>>)
      } else {
      }
      %mul3A_253 = arith.constant 4 : i32
      %mul3A_254 = arith.muli %scan3A_114, %mul3A_253 : i32
      %add3A_255 = arith.constant 2 : i32
      %add3A_256 = arith.addi %mul3A_254, %add3A_255 : i32
      %mul3A_257 = arith.constant 256 : i32
      %mul3A_258 = arith.muli %add3A_256, %mul3A_257 : i32
      %dma_wait3A_259 = arith.constant 2 : i32
      %dma_wait3A_260 = arith.constant 0 : i32
      %dma_wait3A_261 = arith.constant 0 : i32
      %dma_wait3A_262 = tpu.memref_slice %arg7[%dma_wait3A_259, %dma_wait3A_260, %dma_wait3A_261] : memref<4x256x16xf32, #tpu.memory_space<vmem>> -> memref<1x256x16xf32, #tpu.memory_space<vmem>>
      %dma_wait3A_263 = tpu.memref_squeeze %dma_wait3A_262 : memref<1x256x16xf32, #tpu.memory_space<vmem>> -> memref<256x16xf32, #tpu.memory_space<vmem>>
      %dma_wait3A_264 = tpu.memref_slice %arg6[%mul3A_258] : memref<13312xi32, #tpu.memory_space<vmem>> -> memref<256xi32, #tpu.memory_space<vmem>>
      %dma_wait3A_265 = arith.constant 0 : i32
      %dma_wait3A_266 = arith.constant 0 : i32
      %dma_wait3A_267 = tpu.memref_slice %arg3[%dma_wait3A_265, %dma_wait3A_266] : memref<1000000x16xf32, #tpu.memory_space<hbm>> -> memref<1000000x16xf32, #tpu.memory_space<hbm>>
      tpu.wait_indirect_dma semaphore(%arg11 : memref<!tpu.dma_semaphore, #tpu.memory_space<semaphore_mem>>) src(%dma_wait3A_267 : memref<1000000x16xf32, #tpu.memory_space<hbm>>) dst(%dma_wait3A_263 : memref<256x16xf32, #tpu.memory_space<vmem>>)
      %dma_wait3A_268 = arith.constant 2 : i32
      %dma_wait3A_269 = arith.constant 0 : i32
      %dma_wait3A_270 = arith.constant 0 : i32
      %dma_wait3A_271 = tpu.memref_slice %arg8[%dma_wait3A_268, %dma_wait3A_269, %dma_wait3A_270] : memref<4x256x16xf32, #tpu.memory_space<vmem>> -> memref<1x256x16xf32, #tpu.memory_space<vmem>>
      %dma_wait3A_272 = tpu.memref_squeeze %dma_wait3A_271 : memref<1x256x16xf32, #tpu.memory_space<vmem>> -> memref<256x16xf32, #tpu.memory_space<vmem>>
      %dma_wait3A_273 = tpu.memref_slice %arg6[%mul3A_258] : memref<13312xi32, #tpu.memory_space<vmem>> -> memref<256xi32, #tpu.memory_space<vmem>>
      %dma_wait3A_274 = arith.constant 0 : i32
      %dma_wait3A_275 = arith.constant 0 : i32
      %dma_wait3A_276 = tpu.memref_slice %arg4[%dma_wait3A_274, %dma_wait3A_275] : memref<1000000x16xf32, #tpu.memory_space<hbm>> -> memref<1000000x16xf32, #tpu.memory_space<hbm>>
      tpu.wait_indirect_dma semaphore(%arg11 : memref<!tpu.dma_semaphore, #tpu.memory_space<semaphore_mem>>) src(%dma_wait3A_276 : memref<1000000x16xf32, #tpu.memory_space<hbm>>) dst(%dma_wait3A_272 : memref<256x16xf32, #tpu.memory_space<vmem>>)
      %mul3A_277 = arith.constant 256 : i32
      %mul3A_278 = arith.muli %add3A_256, %mul3A_277 : i32
      %add3A_279 = arith.addi %mul3A_2, %mul3A_278 : i32
      %dma_start3A_280 = arith.constant 2 : i32
      %dma_start3A_281 = arith.constant 0 : i32
      %dma_start3A_282 = arith.constant 0 : i32
      %dma_start3A_283 = arith.constant 0 : i32
      %dma_start3A_284 = tpu.memref_slice %arg7[%dma_start3A_280, %dma_start3A_282, %dma_start3A_283] : memref<4x256x16xf32, #tpu.memory_space<vmem>> -> memref<1x256x16xf32, #tpu.memory_space<vmem>>
      %dma_start3A_285 = tpu.memref_squeeze %dma_start3A_284 : memref<1x256x16xf32, #tpu.memory_space<vmem>> -> memref<256x16xf32, #tpu.memory_space<vmem>>
      %dma_start3A_286 = arith.constant 0 : i32
      %dma_start3A_287 = tpu.memref_slice %arg5[%add3A_279, %dma_start3A_281, %dma_start3A_286] : memref<425984x2x16xf32, #tpu.memory_space<hbm>> -> memref<256x1x16xf32, #tpu.memory_space<hbm>>
      %dma_start3A_288 = tpu.memref_squeeze %dma_start3A_287 : memref<256x1x16xf32, #tpu.memory_space<hbm>> -> memref<256x16xf32, #tpu.memory_space<hbm>>
      %dma_start3A_289 = arith.constant 0 : i32
      %dma_start3A_290 = tpu.memref_slice %arg5[%add3A_279, %dma_start3A_281, %dma_start3A_289] : memref<425984x2x16xf32, #tpu.memory_space<hbm>> -> memref<256x1x16xf32, #tpu.memory_space<hbm>>
      %dma_start3A_291 = tpu.memref_squeeze %dma_start3A_290 : memref<256x1x16xf32, #tpu.memory_space<hbm>> -> memref<256x16xf32, #tpu.memory_space<hbm>>
      %dma_start3A_292 = arith.constant 0 : i32
      %dma_start3A_293 = arith.constant 0 : i32
      %dma_start3A_294 = tpu.memref_slice %arg7[%dma_start3A_280, %dma_start3A_292, %dma_start3A_293] : memref<4x256x16xf32, #tpu.memory_space<vmem>> -> memref<1x256x16xf32, #tpu.memory_space<vmem>>
      %dma_start3A_295 = tpu.memref_squeeze %dma_start3A_294 : memref<1x256x16xf32, #tpu.memory_space<vmem>> -> memref<256x16xf32, #tpu.memory_space<vmem>>
      tpu.enqueue_dma source(%dma_start3A_295 : memref<256x16xf32, #tpu.memory_space<vmem>>) target(%dma_start3A_291 : memref<256x16xf32, #tpu.memory_space<hbm>>) target_semaphore(%arg15 : memref<!tpu.dma_semaphore, #tpu.memory_space<semaphore_mem>>)
      %dma_start3A_296 = arith.constant 2 : i32
      %dma_start3A_297 = arith.constant 1 : i32
      %dma_start3A_298 = arith.constant 0 : i32
      %dma_start3A_299 = arith.constant 0 : i32
      %dma_start3A_300 = tpu.memref_slice %arg8[%dma_start3A_296, %dma_start3A_298, %dma_start3A_299] : memref<4x256x16xf32, #tpu.memory_space<vmem>> -> memref<1x256x16xf32, #tpu.memory_space<vmem>>
      %dma_start3A_301 = tpu.memref_squeeze %dma_start3A_300 : memref<1x256x16xf32, #tpu.memory_space<vmem>> -> memref<256x16xf32, #tpu.memory_space<vmem>>
      %dma_start3A_302 = arith.constant 0 : i32
      %dma_start3A_303 = tpu.memref_slice %arg5[%add3A_279, %dma_start3A_297, %dma_start3A_302] : memref<425984x2x16xf32, #tpu.memory_space<hbm>> -> memref<256x1x16xf32, #tpu.memory_space<hbm>>
      %dma_start3A_304 = tpu.memref_squeeze %dma_start3A_303 : memref<256x1x16xf32, #tpu.memory_space<hbm>> -> memref<256x16xf32, #tpu.memory_space<hbm>>
      %dma_start3A_305 = arith.constant 0 : i32
      %dma_start3A_306 = tpu.memref_slice %arg5[%add3A_279, %dma_start3A_297, %dma_start3A_305] : memref<425984x2x16xf32, #tpu.memory_space<hbm>> -> memref<256x1x16xf32, #tpu.memory_space<hbm>>
      %dma_start3A_307 = tpu.memref_squeeze %dma_start3A_306 : memref<256x1x16xf32, #tpu.memory_space<hbm>> -> memref<256x16xf32, #tpu.memory_space<hbm>>
      %dma_start3A_308 = arith.constant 0 : i32
      %dma_start3A_309 = arith.constant 0 : i32
      %dma_start3A_310 = tpu.memref_slice %arg8[%dma_start3A_296, %dma_start3A_308, %dma_start3A_309] : memref<4x256x16xf32, #tpu.memory_space<vmem>> -> memref<1x256x16xf32, #tpu.memory_space<vmem>>
      %dma_start3A_311 = tpu.memref_squeeze %dma_start3A_310 : memref<1x256x16xf32, #tpu.memory_space<vmem>> -> memref<256x16xf32, #tpu.memory_space<vmem>>
      tpu.enqueue_dma source(%dma_start3A_311 : memref<256x16xf32, #tpu.memory_space<vmem>>) target(%dma_start3A_307 : memref<256x16xf32, #tpu.memory_space<hbm>>) target_semaphore(%arg15 : memref<!tpu.dma_semaphore, #tpu.memory_space<semaphore_mem>>)
      %ge3A_312 = arith.constant 2 : i32
      %ge3A_313 = arith.cmpi sge, %add3A_256, %ge3A_312 : i32
      %convert_element_type3A_314 = arith.extui %ge3A_313 : i1 to i32
      %cond3A_315 = arith.constant 0 : i32
      %cond3A_316 = arith.cmpi ne, %convert_element_type3A_314, %cond3A_315 : i32
      scf.if %cond3A_316 {
        %sub3A = arith.constant 2 : i32
        %sub3A_395 = arith.subi %add3A_256, %sub3A : i32
        %mul3A_396 = arith.constant 256 : i32
        %mul3A_397 = arith.muli %sub3A_395, %mul3A_396 : i32
        %add3A_398 = arith.addi %mul3A_2, %mul3A_397 : i32
        %dma_wait3A_399 = arith.constant 0 : i32
        %dma_wait3A_400 = arith.constant 0 : i32
        %dma_wait3A_401 = arith.constant 0 : i32
        %dma_wait3A_402 = arith.constant 0 : i32
        %dma_wait3A_403 = tpu.memref_slice %arg7[%dma_wait3A_399, %dma_wait3A_401, %dma_wait3A_402] : memref<4x256x16xf32, #tpu.memory_space<vmem>> -> memref<1x256x16xf32, #tpu.memory_space<vmem>>
        %dma_wait3A_404 = tpu.memref_squeeze %dma_wait3A_403 : memref<1x256x16xf32, #tpu.memory_space<vmem>> -> memref<256x16xf32, #tpu.memory_space<vmem>>
        %dma_wait3A_405 = arith.constant 0 : i32
        %dma_wait3A_406 = tpu.memref_slice %arg5[%add3A_398, %dma_wait3A_400, %dma_wait3A_405] : memref<425984x2x16xf32, #tpu.memory_space<hbm>> -> memref<256x1x16xf32, #tpu.memory_space<hbm>>
        %dma_wait3A_407 = tpu.memref_squeeze %dma_wait3A_406 : memref<256x1x16xf32, #tpu.memory_space<hbm>> -> memref<256x16xf32, #tpu.memory_space<hbm>>
        %dma_wait3A_408 = arith.constant 0 : i32
        %dma_wait3A_409 = tpu.memref_slice %arg5[%add3A_398, %dma_wait3A_400, %dma_wait3A_408] : memref<425984x2x16xf32, #tpu.memory_space<hbm>> -> memref<256x1x16xf32, #tpu.memory_space<hbm>>
        %dma_wait3A_410 = tpu.memref_squeeze %dma_wait3A_409 : memref<256x1x16xf32, #tpu.memory_space<hbm>> -> memref<256x16xf32, #tpu.memory_space<hbm>>
        %dma_wait3A_411 = arith.constant 0 : i32
        %dma_wait3A_412 = arith.constant 0 : i32
        %dma_wait3A_413 = tpu.memref_slice %arg7[%dma_wait3A_399, %dma_wait3A_411, %dma_wait3A_412] : memref<4x256x16xf32, #tpu.memory_space<vmem>> -> memref<1x256x16xf32, #tpu.memory_space<vmem>>
        %dma_wait3A_414 = tpu.memref_squeeze %dma_wait3A_413 : memref<1x256x16xf32, #tpu.memory_space<vmem>> -> memref<256x16xf32, #tpu.memory_space<vmem>>
        tpu.wait_dma2 semaphore(%arg13 : memref<!tpu.dma_semaphore, #tpu.memory_space<semaphore_mem>>) src(%dma_wait3A_414 : memref<256x16xf32, #tpu.memory_space<vmem>>) dst(%dma_wait3A_410 : memref<256x16xf32, #tpu.memory_space<hbm>>)
        %dma_wait3A_415 = arith.constant 0 : i32
        %dma_wait3A_416 = arith.constant 1 : i32
        %dma_wait3A_417 = arith.constant 0 : i32
        %dma_wait3A_418 = arith.constant 0 : i32
        %dma_wait3A_419 = tpu.memref_slice %arg8[%dma_wait3A_415, %dma_wait3A_417, %dma_wait3A_418] : memref<4x256x16xf32, #tpu.memory_space<vmem>> -> memref<1x256x16xf32, #tpu.memory_space<vmem>>
        %dma_wait3A_420 = tpu.memref_squeeze %dma_wait3A_419 : memref<1x256x16xf32, #tpu.memory_space<vmem>> -> memref<256x16xf32, #tpu.memory_space<vmem>>
        %dma_wait3A_421 = arith.constant 0 : i32
        %dma_wait3A_422 = tpu.memref_slice %arg5[%add3A_398, %dma_wait3A_416, %dma_wait3A_421] : memref<425984x2x16xf32, #tpu.memory_space<hbm>> -> memref<256x1x16xf32, #tpu.memory_space<hbm>>
        %dma_wait3A_423 = tpu.memref_squeeze %dma_wait3A_422 : memref<256x1x16xf32, #tpu.memory_space<hbm>> -> memref<256x16xf32, #tpu.memory_space<hbm>>
        %dma_wait3A_424 = arith.constant 0 : i32
        %dma_wait3A_425 = tpu.memref_slice %arg5[%add3A_398, %dma_wait3A_416, %dma_wait3A_424] : memref<425984x2x16xf32, #tpu.memory_space<hbm>> -> memref<256x1x16xf32, #tpu.memory_space<hbm>>
        %dma_wait3A_426 = tpu.memref_squeeze %dma_wait3A_425 : memref<256x1x16xf32, #tpu.memory_space<hbm>> -> memref<256x16xf32, #tpu.memory_space<hbm>>
        %dma_wait3A_427 = arith.constant 0 : i32
        %dma_wait3A_428 = arith.constant 0 : i32
        %dma_wait3A_429 = tpu.memref_slice %arg8[%dma_wait3A_415, %dma_wait3A_427, %dma_wait3A_428] : memref<4x256x16xf32, #tpu.memory_space<vmem>> -> memref<1x256x16xf32, #tpu.memory_space<vmem>>
        %dma_wait3A_430 = tpu.memref_squeeze %dma_wait3A_429 : memref<1x256x16xf32, #tpu.memory_space<vmem>> -> memref<256x16xf32, #tpu.memory_space<vmem>>
        tpu.wait_dma2 semaphore(%arg13 : memref<!tpu.dma_semaphore, #tpu.memory_space<semaphore_mem>>) src(%dma_wait3A_430 : memref<256x16xf32, #tpu.memory_space<vmem>>) dst(%dma_wait3A_426 : memref<256x16xf32, #tpu.memory_space<hbm>>)
      } else {
      }
      %add3A_317 = arith.constant 2 : i32
      %add3A_318 = arith.addi %add3A_256, %add3A_317 : i32
      %lt3A_319 = arith.constant 52 : i32
      %lt3A_320 = arith.cmpi slt, %add3A_318, %lt3A_319 : i32
      %convert_element_type3A_321 = arith.extui %lt3A_320 : i1 to i32
      %cond3A_322 = arith.constant 0 : i32
      %cond3A_323 = arith.cmpi ne, %convert_element_type3A_321, %cond3A_322 : i32
      scf.if %cond3A_323 {
        %add3A_395 = arith.constant 2 : i32
        %add3A_396 = arith.addi %add3A_256, %add3A_395 : i32
        %mul3A_397 = arith.constant 256 : i32
        %mul3A_398 = arith.muli %add3A_396, %mul3A_397 : i32
        %dma_start3A_399 = arith.constant 0 : i32
        %dma_start3A_400 = arith.constant 0 : i32
        %dma_start3A_401 = arith.constant 0 : i32
        %dma_start3A_402 = tpu.memref_slice %arg7[%dma_start3A_399, %dma_start3A_400, %dma_start3A_401] : memref<4x256x16xf32, #tpu.memory_space<vmem>> -> memref<1x256x16xf32, #tpu.memory_space<vmem>>
        %dma_start3A_403 = tpu.memref_squeeze %dma_start3A_402 : memref<1x256x16xf32, #tpu.memory_space<vmem>> -> memref<256x16xf32, #tpu.memory_space<vmem>>
        %dma_start3A_404 = tpu.memref_slice %arg6[%mul3A_398] : memref<13312xi32, #tpu.memory_space<vmem>> -> memref<256xi32, #tpu.memory_space<vmem>>
        %dma_start3A_405 = arith.constant 0 : i32
        %dma_start3A_406 = arith.constant 0 : i32
        %dma_start3A_407 = tpu.memref_slice %arg3[%dma_start3A_405, %dma_start3A_406] : memref<1000000x16xf32, #tpu.memory_space<hbm>> -> memref<1000000x16xf32, #tpu.memory_space<hbm>>
        tpu.enqueue_indirect_dma source(%dma_start3A_407 : memref<1000000x16xf32, #tpu.memory_space<hbm>>) target(%dma_start3A_403 : memref<256x16xf32, #tpu.memory_space<vmem>>) offsets(%dma_start3A_404 : memref<256xi32, #tpu.memory_space<vmem>>) semaphore(%arg9 : memref<!tpu.dma_semaphore, #tpu.memory_space<semaphore_mem>>)
        %dma_start3A_408 = arith.constant 0 : i32
        %dma_start3A_409 = arith.constant 0 : i32
        %dma_start3A_410 = arith.constant 0 : i32
        %dma_start3A_411 = tpu.memref_slice %arg8[%dma_start3A_408, %dma_start3A_409, %dma_start3A_410] : memref<4x256x16xf32, #tpu.memory_space<vmem>> -> memref<1x256x16xf32, #tpu.memory_space<vmem>>
        %dma_start3A_412 = tpu.memref_squeeze %dma_start3A_411 : memref<1x256x16xf32, #tpu.memory_space<vmem>> -> memref<256x16xf32, #tpu.memory_space<vmem>>
        %dma_start3A_413 = tpu.memref_slice %arg6[%mul3A_398] : memref<13312xi32, #tpu.memory_space<vmem>> -> memref<256xi32, #tpu.memory_space<vmem>>
        %dma_start3A_414 = arith.constant 0 : i32
        %dma_start3A_415 = arith.constant 0 : i32
        %dma_start3A_416 = tpu.memref_slice %arg4[%dma_start3A_414, %dma_start3A_415] : memref<1000000x16xf32, #tpu.memory_space<hbm>> -> memref<1000000x16xf32, #tpu.memory_space<hbm>>
        tpu.enqueue_indirect_dma source(%dma_start3A_416 : memref<1000000x16xf32, #tpu.memory_space<hbm>>) target(%dma_start3A_412 : memref<256x16xf32, #tpu.memory_space<vmem>>) offsets(%dma_start3A_413 : memref<256xi32, #tpu.memory_space<vmem>>) semaphore(%arg9 : memref<!tpu.dma_semaphore, #tpu.memory_space<semaphore_mem>>)
      } else {
      }
      %mul3A_324 = arith.constant 4 : i32
      %mul3A_325 = arith.muli %scan3A_114, %mul3A_324 : i32
      %add3A_326 = arith.constant 3 : i32
      %add3A_327 = arith.addi %mul3A_325, %add3A_326 : i32
      %mul3A_328 = arith.constant 256 : i32
      %mul3A_329 = arith.muli %add3A_327, %mul3A_328 : i32
      %dma_wait3A_330 = arith.constant 3 : i32
      %dma_wait3A_331 = arith.constant 0 : i32
      %dma_wait3A_332 = arith.constant 0 : i32
      %dma_wait3A_333 = tpu.memref_slice %arg7[%dma_wait3A_330, %dma_wait3A_331, %dma_wait3A_332] : memref<4x256x16xf32, #tpu.memory_space<vmem>> -> memref<1x256x16xf32, #tpu.memory_space<vmem>>
      %dma_wait3A_334 = tpu.memref_squeeze %dma_wait3A_333 : memref<1x256x16xf32, #tpu.memory_space<vmem>> -> memref<256x16xf32, #tpu.memory_space<vmem>>
      %dma_wait3A_335 = tpu.memref_slice %arg6[%mul3A_329] : memref<13312xi32, #tpu.memory_space<vmem>> -> memref<256xi32, #tpu.memory_space<vmem>>
      %dma_wait3A_336 = arith.constant 0 : i32
      %dma_wait3A_337 = arith.constant 0 : i32
      %dma_wait3A_338 = tpu.memref_slice %arg3[%dma_wait3A_336, %dma_wait3A_337] : memref<1000000x16xf32, #tpu.memory_space<hbm>> -> memref<1000000x16xf32, #tpu.memory_space<hbm>>
      tpu.wait_indirect_dma semaphore(%arg12 : memref<!tpu.dma_semaphore, #tpu.memory_space<semaphore_mem>>) src(%dma_wait3A_338 : memref<1000000x16xf32, #tpu.memory_space<hbm>>) dst(%dma_wait3A_334 : memref<256x16xf32, #tpu.memory_space<vmem>>)
      %dma_wait3A_339 = arith.constant 3 : i32
      %dma_wait3A_340 = arith.constant 0 : i32
      %dma_wait3A_341 = arith.constant 0 : i32
      %dma_wait3A_342 = tpu.memref_slice %arg8[%dma_wait3A_339, %dma_wait3A_340, %dma_wait3A_341] : memref<4x256x16xf32, #tpu.memory_space<vmem>> -> memref<1x256x16xf32, #tpu.memory_space<vmem>>
      %dma_wait3A_343 = tpu.memref_squeeze %dma_wait3A_342 : memref<1x256x16xf32, #tpu.memory_space<vmem>> -> memref<256x16xf32, #tpu.memory_space<vmem>>
      %dma_wait3A_344 = tpu.memref_slice %arg6[%mul3A_329] : memref<13312xi32, #tpu.memory_space<vmem>> -> memref<256xi32, #tpu.memory_space<vmem>>
      %dma_wait3A_345 = arith.constant 0 : i32
      %dma_wait3A_346 = arith.constant 0 : i32
      %dma_wait3A_347 = tpu.memref_slice %arg4[%dma_wait3A_345, %dma_wait3A_346] : memref<1000000x16xf32, #tpu.memory_space<hbm>> -> memref<1000000x16xf32, #tpu.memory_space<hbm>>
      tpu.wait_indirect_dma semaphore(%arg12 : memref<!tpu.dma_semaphore, #tpu.memory_space<semaphore_mem>>) src(%dma_wait3A_347 : memref<1000000x16xf32, #tpu.memory_space<hbm>>) dst(%dma_wait3A_343 : memref<256x16xf32, #tpu.memory_space<vmem>>)
      %mul3A_348 = arith.constant 256 : i32
      %mul3A_349 = arith.muli %add3A_327, %mul3A_348 : i32
      %add3A_350 = arith.addi %mul3A_2, %mul3A_349 : i32
      %dma_start3A_351 = arith.constant 3 : i32
      %dma_start3A_352 = arith.constant 0 : i32
      %dma_start3A_353 = arith.constant 0 : i32
      %dma_start3A_354 = arith.constant 0 : i32
      %dma_start3A_355 = tpu.memref_slice %arg7[%dma_start3A_351, %dma_start3A_353, %dma_start3A_354] : memref<4x256x16xf32, #tpu.memory_space<vmem>> -> memref<1x256x16xf32, #tpu.memory_space<vmem>>
      %dma_start3A_356 = tpu.memref_squeeze %dma_start3A_355 : memref<1x256x16xf32, #tpu.memory_space<vmem>> -> memref<256x16xf32, #tpu.memory_space<vmem>>
      %dma_start3A_357 = arith.constant 0 : i32
      %dma_start3A_358 = tpu.memref_slice %arg5[%add3A_350, %dma_start3A_352, %dma_start3A_357] : memref<425984x2x16xf32, #tpu.memory_space<hbm>> -> memref<256x1x16xf32, #tpu.memory_space<hbm>>
      %dma_start3A_359 = tpu.memref_squeeze %dma_start3A_358 : memref<256x1x16xf32, #tpu.memory_space<hbm>> -> memref<256x16xf32, #tpu.memory_space<hbm>>
      %dma_start3A_360 = arith.constant 0 : i32
      %dma_start3A_361 = tpu.memref_slice %arg5[%add3A_350, %dma_start3A_352, %dma_start3A_360] : memref<425984x2x16xf32, #tpu.memory_space<hbm>> -> memref<256x1x16xf32, #tpu.memory_space<hbm>>
      %dma_start3A_362 = tpu.memref_squeeze %dma_start3A_361 : memref<256x1x16xf32, #tpu.memory_space<hbm>> -> memref<256x16xf32, #tpu.memory_space<hbm>>
      %dma_start3A_363 = arith.constant 0 : i32
      %dma_start3A_364 = arith.constant 0 : i32
      %dma_start3A_365 = tpu.memref_slice %arg7[%dma_start3A_351, %dma_start3A_363, %dma_start3A_364] : memref<4x256x16xf32, #tpu.memory_space<vmem>> -> memref<1x256x16xf32, #tpu.memory_space<vmem>>
      %dma_start3A_366 = tpu.memref_squeeze %dma_start3A_365 : memref<1x256x16xf32, #tpu.memory_space<vmem>> -> memref<256x16xf32, #tpu.memory_space<vmem>>
      tpu.enqueue_dma source(%dma_start3A_366 : memref<256x16xf32, #tpu.memory_space<vmem>>) target(%dma_start3A_362 : memref<256x16xf32, #tpu.memory_space<hbm>>) target_semaphore(%arg16 : memref<!tpu.dma_semaphore, #tpu.memory_space<semaphore_mem>>)
      %dma_start3A_367 = arith.constant 3 : i32
      %dma_start3A_368 = arith.constant 1 : i32
      %dma_start3A_369 = arith.constant 0 : i32
      %dma_start3A_370 = arith.constant 0 : i32
      %dma_start3A_371 = tpu.memref_slice %arg8[%dma_start3A_367, %dma_start3A_369, %dma_start3A_370] : memref<4x256x16xf32, #tpu.memory_space<vmem>> -> memref<1x256x16xf32, #tpu.memory_space<vmem>>
      %dma_start3A_372 = tpu.memref_squeeze %dma_start3A_371 : memref<1x256x16xf32, #tpu.memory_space<vmem>> -> memref<256x16xf32, #tpu.memory_space<vmem>>
      %dma_start3A_373 = arith.constant 0 : i32
      %dma_start3A_374 = tpu.memref_slice %arg5[%add3A_350, %dma_start3A_368, %dma_start3A_373] : memref<425984x2x16xf32, #tpu.memory_space<hbm>> -> memref<256x1x16xf32, #tpu.memory_space<hbm>>
      %dma_start3A_375 = tpu.memref_squeeze %dma_start3A_374 : memref<256x1x16xf32, #tpu.memory_space<hbm>> -> memref<256x16xf32, #tpu.memory_space<hbm>>
      %dma_start3A_376 = arith.constant 0 : i32
      %dma_start3A_377 = tpu.memref_slice %arg5[%add3A_350, %dma_start3A_368, %dma_start3A_376] : memref<425984x2x16xf32, #tpu.memory_space<hbm>> -> memref<256x1x16xf32, #tpu.memory_space<hbm>>
      %dma_start3A_378 = tpu.memref_squeeze %dma_start3A_377 : memref<256x1x16xf32, #tpu.memory_space<hbm>> -> memref<256x16xf32, #tpu.memory_space<hbm>>
      %dma_start3A_379 = arith.constant 0 : i32
      %dma_start3A_380 = arith.constant 0 : i32
      %dma_start3A_381 = tpu.memref_slice %arg8[%dma_start3A_367, %dma_start3A_379, %dma_start3A_380] : memref<4x256x16xf32, #tpu.memory_space<vmem>> -> memref<1x256x16xf32, #tpu.memory_space<vmem>>
      %dma_start3A_382 = tpu.memref_squeeze %dma_start3A_381 : memref<1x256x16xf32, #tpu.memory_space<vmem>> -> memref<256x16xf32, #tpu.memory_space<vmem>>
      tpu.enqueue_dma source(%dma_start3A_382 : memref<256x16xf32, #tpu.memory_space<vmem>>) target(%dma_start3A_378 : memref<256x16xf32, #tpu.memory_space<hbm>>) target_semaphore(%arg16 : memref<!tpu.dma_semaphore, #tpu.memory_space<semaphore_mem>>)
      %ge3A_383 = arith.constant 2 : i32
      %ge3A_384 = arith.cmpi sge, %add3A_327, %ge3A_383 : i32
      %convert_element_type3A_385 = arith.extui %ge3A_384 : i1 to i32
      %cond3A_386 = arith.constant 0 : i32
      %cond3A_387 = arith.cmpi ne, %convert_element_type3A_385, %cond3A_386 : i32
      scf.if %cond3A_387 {
        %sub3A = arith.constant 2 : i32
        %sub3A_395 = arith.subi %add3A_327, %sub3A : i32
        %mul3A_396 = arith.constant 256 : i32
        %mul3A_397 = arith.muli %sub3A_395, %mul3A_396 : i32
        %add3A_398 = arith.addi %mul3A_2, %mul3A_397 : i32
        %dma_wait3A_399 = arith.constant 1 : i32
        %dma_wait3A_400 = arith.constant 0 : i32
        %dma_wait3A_401 = arith.constant 0 : i32
        %dma_wait3A_402 = arith.constant 0 : i32
        %dma_wait3A_403 = tpu.memref_slice %arg7[%dma_wait3A_399, %dma_wait3A_401, %dma_wait3A_402] : memref<4x256x16xf32, #tpu.memory_space<vmem>> -> memref<1x256x16xf32, #tpu.memory_space<vmem>>
        %dma_wait3A_404 = tpu.memref_squeeze %dma_wait3A_403 : memref<1x256x16xf32, #tpu.memory_space<vmem>> -> memref<256x16xf32, #tpu.memory_space<vmem>>
        %dma_wait3A_405 = arith.constant 0 : i32
        %dma_wait3A_406 = tpu.memref_slice %arg5[%add3A_398, %dma_wait3A_400, %dma_wait3A_405] : memref<425984x2x16xf32, #tpu.memory_space<hbm>> -> memref<256x1x16xf32, #tpu.memory_space<hbm>>
        %dma_wait3A_407 = tpu.memref_squeeze %dma_wait3A_406 : memref<256x1x16xf32, #tpu.memory_space<hbm>> -> memref<256x16xf32, #tpu.memory_space<hbm>>
        %dma_wait3A_408 = arith.constant 0 : i32
        %dma_wait3A_409 = tpu.memref_slice %arg5[%add3A_398, %dma_wait3A_400, %dma_wait3A_408] : memref<425984x2x16xf32, #tpu.memory_space<hbm>> -> memref<256x1x16xf32, #tpu.memory_space<hbm>>
        %dma_wait3A_410 = tpu.memref_squeeze %dma_wait3A_409 : memref<256x1x16xf32, #tpu.memory_space<hbm>> -> memref<256x16xf32, #tpu.memory_space<hbm>>
        %dma_wait3A_411 = arith.constant 0 : i32
        %dma_wait3A_412 = arith.constant 0 : i32
        %dma_wait3A_413 = tpu.memref_slice %arg7[%dma_wait3A_399, %dma_wait3A_411, %dma_wait3A_412] : memref<4x256x16xf32, #tpu.memory_space<vmem>> -> memref<1x256x16xf32, #tpu.memory_space<vmem>>
        %dma_wait3A_414 = tpu.memref_squeeze %dma_wait3A_413 : memref<1x256x16xf32, #tpu.memory_space<vmem>> -> memref<256x16xf32, #tpu.memory_space<vmem>>
        tpu.wait_dma2 semaphore(%arg14 : memref<!tpu.dma_semaphore, #tpu.memory_space<semaphore_mem>>) src(%dma_wait3A_414 : memref<256x16xf32, #tpu.memory_space<vmem>>) dst(%dma_wait3A_410 : memref<256x16xf32, #tpu.memory_space<hbm>>)
        %dma_wait3A_415 = arith.constant 1 : i32
        %dma_wait3A_416 = arith.constant 1 : i32
        %dma_wait3A_417 = arith.constant 0 : i32
        %dma_wait3A_418 = arith.constant 0 : i32
        %dma_wait3A_419 = tpu.memref_slice %arg8[%dma_wait3A_415, %dma_wait3A_417, %dma_wait3A_418] : memref<4x256x16xf32, #tpu.memory_space<vmem>> -> memref<1x256x16xf32, #tpu.memory_space<vmem>>
        %dma_wait3A_420 = tpu.memref_squeeze %dma_wait3A_419 : memref<1x256x16xf32, #tpu.memory_space<vmem>> -> memref<256x16xf32, #tpu.memory_space<vmem>>
        %dma_wait3A_421 = arith.constant 0 : i32
        %dma_wait3A_422 = tpu.memref_slice %arg5[%add3A_398, %dma_wait3A_416, %dma_wait3A_421] : memref<425984x2x16xf32, #tpu.memory_space<hbm>> -> memref<256x1x16xf32, #tpu.memory_space<hbm>>
        %dma_wait3A_423 = tpu.memref_squeeze %dma_wait3A_422 : memref<256x1x16xf32, #tpu.memory_space<hbm>> -> memref<256x16xf32, #tpu.memory_space<hbm>>
        %dma_wait3A_424 = arith.constant 0 : i32
        %dma_wait3A_425 = tpu.memref_slice %arg5[%add3A_398, %dma_wait3A_416, %dma_wait3A_424] : memref<425984x2x16xf32, #tpu.memory_space<hbm>> -> memref<256x1x16xf32, #tpu.memory_space<hbm>>
        %dma_wait3A_426 = tpu.memref_squeeze %dma_wait3A_425 : memref<256x1x16xf32, #tpu.memory_space<hbm>> -> memref<256x16xf32, #tpu.memory_space<hbm>>
        %dma_wait3A_427 = arith.constant 0 : i32
        %dma_wait3A_428 = arith.constant 0 : i32
        %dma_wait3A_429 = tpu.memref_slice %arg8[%dma_wait3A_415, %dma_wait3A_427, %dma_wait3A_428] : memref<4x256x16xf32, #tpu.memory_space<vmem>> -> memref<1x256x16xf32, #tpu.memory_space<vmem>>
        %dma_wait3A_430 = tpu.memref_squeeze %dma_wait3A_429 : memref<1x256x16xf32, #tpu.memory_space<vmem>> -> memref<256x16xf32, #tpu.memory_space<vmem>>
        tpu.wait_dma2 semaphore(%arg14 : memref<!tpu.dma_semaphore, #tpu.memory_space<semaphore_mem>>) src(%dma_wait3A_430 : memref<256x16xf32, #tpu.memory_space<vmem>>) dst(%dma_wait3A_426 : memref<256x16xf32, #tpu.memory_space<hbm>>)
      } else {
      }
      %add3A_388 = arith.constant 2 : i32
      %add3A_389 = arith.addi %add3A_327, %add3A_388 : i32
      %lt3A_390 = arith.constant 52 : i32
      %lt3A_391 = arith.cmpi slt, %add3A_389, %lt3A_390 : i32
      %convert_element_type3A_392 = arith.extui %lt3A_391 : i1 to i32
      %cond3A_393 = arith.constant 0 : i32
      %cond3A_394 = arith.cmpi ne, %convert_element_type3A_392, %cond3A_393 : i32
      scf.if %cond3A_394 {
        %add3A_395 = arith.constant 2 : i32
        %add3A_396 = arith.addi %add3A_327, %add3A_395 : i32
        %mul3A_397 = arith.constant 256 : i32
        %mul3A_398 = arith.muli %add3A_396, %mul3A_397 : i32
        %dma_start3A_399 = arith.constant 1 : i32
        %dma_start3A_400 = arith.constant 0 : i32
        %dma_start3A_401 = arith.constant 0 : i32
        %dma_start3A_402 = tpu.memref_slice %arg7[%dma_start3A_399, %dma_start3A_400, %dma_start3A_401] : memref<4x256x16xf32, #tpu.memory_space<vmem>> -> memref<1x256x16xf32, #tpu.memory_space<vmem>>
        %dma_start3A_403 = tpu.memref_squeeze %dma_start3A_402 : memref<1x256x16xf32, #tpu.memory_space<vmem>> -> memref<256x16xf32, #tpu.memory_space<vmem>>
        %dma_start3A_404 = tpu.memref_slice %arg6[%mul3A_398] : memref<13312xi32, #tpu.memory_space<vmem>> -> memref<256xi32, #tpu.memory_space<vmem>>
        %dma_start3A_405 = arith.constant 0 : i32
        %dma_start3A_406 = arith.constant 0 : i32
        %dma_start3A_407 = tpu.memref_slice %arg3[%dma_start3A_405, %dma_start3A_406] : memref<1000000x16xf32, #tpu.memory_space<hbm>> -> memref<1000000x16xf32, #tpu.memory_space<hbm>>
        tpu.enqueue_indirect_dma source(%dma_start3A_407 : memref<1000000x16xf32, #tpu.memory_space<hbm>>) target(%dma_start3A_403 : memref<256x16xf32, #tpu.memory_space<vmem>>) offsets(%dma_start3A_404 : memref<256xi32, #tpu.memory_space<vmem>>) semaphore(%arg10 : memref<!tpu.dma_semaphore, #tpu.memory_space<semaphore_mem>>)
        %dma_start3A_408 = arith.constant 1 : i32
        %dma_start3A_409 = arith.constant 0 : i32
        %dma_start3A_410 = arith.constant 0 : i32
        %dma_start3A_411 = tpu.memref_slice %arg8[%dma_start3A_408, %dma_start3A_409, %dma_start3A_410] : memref<4x256x16xf32, #tpu.memory_space<vmem>> -> memref<1x256x16xf32, #tpu.memory_space<vmem>>
        %dma_start3A_412 = tpu.memref_squeeze %dma_start3A_411 : memref<1x256x16xf32, #tpu.memory_space<vmem>> -> memref<256x16xf32, #tpu.memory_space<vmem>>
        %dma_start3A_413 = tpu.memref_slice %arg6[%mul3A_398] : memref<13312xi32, #tpu.memory_space<vmem>> -> memref<256xi32, #tpu.memory_space<vmem>>
        %dma_start3A_414 = arith.constant 0 : i32
        %dma_start3A_415 = arith.constant 0 : i32
        %dma_start3A_416 = tpu.memref_slice %arg4[%dma_start3A_414, %dma_start3A_415] : memref<1000000x16xf32, #tpu.memory_space<hbm>> -> memref<1000000x16xf32, #tpu.memory_space<hbm>>
        tpu.enqueue_indirect_dma source(%dma_start3A_416 : memref<1000000x16xf32, #tpu.memory_space<hbm>>) target(%dma_start3A_412 : memref<256x16xf32, #tpu.memory_space<vmem>>) offsets(%dma_start3A_413 : memref<256xi32, #tpu.memory_space<vmem>>) semaphore(%arg10 : memref<!tpu.dma_semaphore, #tpu.memory_space<semaphore_mem>>)
      } else {
      }
    }
    %scan3A_46 = arith.constant 13 : i32
    %add3A_47 = arith.constant 12800 : i32
    %add3A_48 = arith.addi %mul3A_2, %add3A_47 : i32
    %dma_wait3A = arith.constant 2 : i32
    %dma_wait3A_49 = arith.constant 0 : i32
    %dma_wait3A_50 = arith.constant 0 : i32
    %dma_wait3A_51 = arith.constant 0 : i32
    %dma_wait3A_52 = tpu.memref_slice %arg7[%dma_wait3A, %dma_wait3A_50, %dma_wait3A_51] : memref<4x256x16xf32, #tpu.memory_space<vmem>> -> memref<1x256x16xf32, #tpu.memory_space<vmem>>
    %dma_wait3A_53 = tpu.memref_squeeze %dma_wait3A_52 : memref<1x256x16xf32, #tpu.memory_space<vmem>> -> memref<256x16xf32, #tpu.memory_space<vmem>>
    %dma_wait3A_54 = arith.constant 0 : i32
    %dma_wait3A_55 = tpu.memref_slice %arg5[%add3A_48, %dma_wait3A_49, %dma_wait3A_54] : memref<425984x2x16xf32, #tpu.memory_space<hbm>> -> memref<256x1x16xf32, #tpu.memory_space<hbm>>
    %dma_wait3A_56 = tpu.memref_squeeze %dma_wait3A_55 : memref<256x1x16xf32, #tpu.memory_space<hbm>> -> memref<256x16xf32, #tpu.memory_space<hbm>>
    %dma_wait3A_57 = arith.constant 0 : i32
    %dma_wait3A_58 = tpu.memref_slice %arg5[%add3A_48, %dma_wait3A_49, %dma_wait3A_57] : memref<425984x2x16xf32, #tpu.memory_space<hbm>> -> memref<256x1x16xf32, #tpu.memory_space<hbm>>
    %dma_wait3A_59 = tpu.memref_squeeze %dma_wait3A_58 : memref<256x1x16xf32, #tpu.memory_space<hbm>> -> memref<256x16xf32, #tpu.memory_space<hbm>>
    %dma_wait3A_60 = arith.constant 0 : i32
    %dma_wait3A_61 = arith.constant 0 : i32
    %dma_wait3A_62 = tpu.memref_slice %arg7[%dma_wait3A, %dma_wait3A_60, %dma_wait3A_61] : memref<4x256x16xf32, #tpu.memory_space<vmem>> -> memref<1x256x16xf32, #tpu.memory_space<vmem>>
    %dma_wait3A_63 = tpu.memref_squeeze %dma_wait3A_62 : memref<1x256x16xf32, #tpu.memory_space<vmem>> -> memref<256x16xf32, #tpu.memory_space<vmem>>
    tpu.wait_dma2 semaphore(%arg15 : memref<!tpu.dma_semaphore, #tpu.memory_space<semaphore_mem>>) src(%dma_wait3A_63 : memref<256x16xf32, #tpu.memory_space<vmem>>) dst(%dma_wait3A_59 : memref<256x16xf32, #tpu.memory_space<hbm>>)
    %dma_wait3A_64 = arith.constant 2 : i32
    %dma_wait3A_65 = arith.constant 1 : i32
    %dma_wait3A_66 = arith.constant 0 : i32
    %dma_wait3A_67 = arith.constant 0 : i32
    %dma_wait3A_68 = tpu.memref_slice %arg8[%dma_wait3A_64, %dma_wait3A_66, %dma_wait3A_67] : memref<4x256x16xf32, #tpu.memory_space<vmem>> -> memref<1x256x16xf32, #tpu.memory_space<vmem>>
    %dma_wait3A_69 = tpu.memref_squeeze %dma_wait3A_68 : memref<1x256x16xf32, #tpu.memory_space<vmem>> -> memref<256x16xf32, #tpu.memory_space<vmem>>
    %dma_wait3A_70 = arith.constant 0 : i32
    %dma_wait3A_71 = tpu.memref_slice %arg5[%add3A_48, %dma_wait3A_65, %dma_wait3A_70] : memref<425984x2x16xf32, #tpu.memory_space<hbm>> -> memref<256x1x16xf32, #tpu.memory_space<hbm>>
    %dma_wait3A_72 = tpu.memref_squeeze %dma_wait3A_71 : memref<256x1x16xf32, #tpu.memory_space<hbm>> -> memref<256x16xf32, #tpu.memory_space<hbm>>
    %dma_wait3A_73 = arith.constant 0 : i32
    %dma_wait3A_74 = tpu.memref_slice %arg5[%add3A_48, %dma_wait3A_65, %dma_wait3A_73] : memref<425984x2x16xf32, #tpu.memory_space<hbm>> -> memref<256x1x16xf32, #tpu.memory_space<hbm>>
    %dma_wait3A_75 = tpu.memref_squeeze %dma_wait3A_74 : memref<256x1x16xf32, #tpu.memory_space<hbm>> -> memref<256x16xf32, #tpu.memory_space<hbm>>
    %dma_wait3A_76 = arith.constant 0 : i32
    %dma_wait3A_77 = arith.constant 0 : i32
    %dma_wait3A_78 = tpu.memref_slice %arg8[%dma_wait3A_64, %dma_wait3A_76, %dma_wait3A_77] : memref<4x256x16xf32, #tpu.memory_space<vmem>> -> memref<1x256x16xf32, #tpu.memory_space<vmem>>
    %dma_wait3A_79 = tpu.memref_squeeze %dma_wait3A_78 : memref<1x256x16xf32, #tpu.memory_space<vmem>> -> memref<256x16xf32, #tpu.memory_space<vmem>>
    tpu.wait_dma2 semaphore(%arg15 : memref<!tpu.dma_semaphore, #tpu.memory_space<semaphore_mem>>) src(%dma_wait3A_79 : memref<256x16xf32, #tpu.memory_space<vmem>>) dst(%dma_wait3A_75 : memref<256x16xf32, #tpu.memory_space<hbm>>)
    %add3A_80 = arith.constant 13056 : i32
    %add3A_81 = arith.addi %mul3A_2, %add3A_80 : i32
    %dma_wait3A_82 = arith.constant 3 : i32
    %dma_wait3A_83 = arith.constant 0 : i32
    %dma_wait3A_84 = arith.constant 0 : i32
    %dma_wait3A_85 = arith.constant 0 : i32
    %dma_wait3A_86 = tpu.memref_slice %arg7[%dma_wait3A_82, %dma_wait3A_84, %dma_wait3A_85] : memref<4x256x16xf32, #tpu.memory_space<vmem>> -> memref<1x256x16xf32, #tpu.memory_space<vmem>>
    %dma_wait3A_87 = tpu.memref_squeeze %dma_wait3A_86 : memref<1x256x16xf32, #tpu.memory_space<vmem>> -> memref<256x16xf32, #tpu.memory_space<vmem>>
    %dma_wait3A_88 = arith.constant 0 : i32
    %dma_wait3A_89 = tpu.memref_slice %arg5[%add3A_81, %dma_wait3A_83, %dma_wait3A_88] : memref<425984x2x16xf32, #tpu.memory_space<hbm>> -> memref<256x1x16xf32, #tpu.memory_space<hbm>>
    %dma_wait3A_90 = tpu.memref_squeeze %dma_wait3A_89 : memref<256x1x16xf32, #tpu.memory_space<hbm>> -> memref<256x16xf32, #tpu.memory_space<hbm>>
    %dma_wait3A_91 = arith.constant 0 : i32
    %dma_wait3A_92 = tpu.memref_slice %arg5[%add3A_81, %dma_wait3A_83, %dma_wait3A_91] : memref<425984x2x16xf32, #tpu.memory_space<hbm>> -> memref<256x1x16xf32, #tpu.memory_space<hbm>>
    %dma_wait3A_93 = tpu.memref_squeeze %dma_wait3A_92 : memref<256x1x16xf32, #tpu.memory_space<hbm>> -> memref<256x16xf32, #tpu.memory_space<hbm>>
    %dma_wait3A_94 = arith.constant 0 : i32
    %dma_wait3A_95 = arith.constant 0 : i32
    %dma_wait3A_96 = tpu.memref_slice %arg7[%dma_wait3A_82, %dma_wait3A_94, %dma_wait3A_95] : memref<4x256x16xf32, #tpu.memory_space<vmem>> -> memref<1x256x16xf32, #tpu.memory_space<vmem>>
    %dma_wait3A_97 = tpu.memref_squeeze %dma_wait3A_96 : memref<1x256x16xf32, #tpu.memory_space<vmem>> -> memref<256x16xf32, #tpu.memory_space<vmem>>
    tpu.wait_dma2 semaphore(%arg16 : memref<!tpu.dma_semaphore, #tpu.memory_space<semaphore_mem>>) src(%dma_wait3A_97 : memref<256x16xf32, #tpu.memory_space<vmem>>) dst(%dma_wait3A_93 : memref<256x16xf32, #tpu.memory_space<hbm>>)
    %dma_wait3A_98 = arith.constant 3 : i32
    %dma_wait3A_99 = arith.constant 1 : i32
    %dma_wait3A_100 = arith.constant 0 : i32
    %dma_wait3A_101 = arith.constant 0 : i32
    %dma_wait3A_102 = tpu.memref_slice %arg8[%dma_wait3A_98, %dma_wait3A_100, %dma_wait3A_101] : memref<4x256x16xf32, #tpu.memory_space<vmem>> -> memref<1x256x16xf32, #tpu.memory_space<vmem>>
    %dma_wait3A_103 = tpu.memref_squeeze %dma_wait3A_102 : memref<1x256x16xf32, #tpu.memory_space<vmem>> -> memref<256x16xf32, #tpu.memory_space<vmem>>
    %dma_wait3A_104 = arith.constant 0 : i32
    %dma_wait3A_105 = tpu.memref_slice %arg5[%add3A_81, %dma_wait3A_99, %dma_wait3A_104] : memref<425984x2x16xf32, #tpu.memory_space<hbm>> -> memref<256x1x16xf32, #tpu.memory_space<hbm>>
    %dma_wait3A_106 = tpu.memref_squeeze %dma_wait3A_105 : memref<256x1x16xf32, #tpu.memory_space<hbm>> -> memref<256x16xf32, #tpu.memory_space<hbm>>
    %dma_wait3A_107 = arith.constant 0 : i32
    %dma_wait3A_108 = tpu.memref_slice %arg5[%add3A_81, %dma_wait3A_99, %dma_wait3A_107] : memref<425984x2x16xf32, #tpu.memory_space<hbm>> -> memref<256x1x16xf32, #tpu.memory_space<hbm>>
    %dma_wait3A_109 = tpu.memref_squeeze %dma_wait3A_108 : memref<256x1x16xf32, #tpu.memory_space<hbm>> -> memref<256x16xf32, #tpu.memory_space<hbm>>
    %dma_wait3A_110 = arith.constant 0 : i32
    %dma_wait3A_111 = arith.constant 0 : i32
    %dma_wait3A_112 = tpu.memref_slice %arg8[%dma_wait3A_98, %dma_wait3A_110, %dma_wait3A_111] : memref<4x256x16xf32, #tpu.memory_space<vmem>> -> memref<1x256x16xf32, #tpu.memory_space<vmem>>
    %dma_wait3A_113 = tpu.memref_squeeze %dma_wait3A_112 : memref<1x256x16xf32, #tpu.memory_space<vmem>> -> memref<256x16xf32, #tpu.memory_space<vmem>>
    tpu.wait_dma2 semaphore(%arg16 : memref<!tpu.dma_semaphore, #tpu.memory_space<semaphore_mem>>) src(%dma_wait3A_113 : memref<256x16xf32, #tpu.memory_space<vmem>>) dst(%dma_wait3A_109 : memref<256x16xf32, #tpu.memory_space<hbm>>)
    return
  }
}

</mosaic_0001>

<sc_bundles>
// kernel: kernel.3.cloned.1.call-start
scs
__scs_entry_jumppad:
0x0: {  	(pc) =	sbr.rel $0x88, $3  }
0x1: {  	(tag) =	ssettag $0x0;
	lr =	simm.s32 $0x1  }
0x2: {  	[smem:$0x3F9E] =	sst lr;
	_ =	strace $0xD0000000  }
0x3: {  	_ = 	snop  }
0x4: {  	_ = 	snop  }
0x5: {  	_ = 	snop  }
0x6: {  	_ = 	snop  }
0x7: {  	_ = 	snop  }
__scs_overlays_trampoline_lowered:
0x8: {  	[smem:$0x3FAD] =	sst s0  }
0x9: {  	[smem:$0x3FAE] =	sst s1  }
0xa: {  	[smem:$0x3FAF] =	sst s2  }
0xb: {  	[smem:$0x3FB0] =	sst s3  }
0xc: {  	[smem:$0x3FB1] =	sst s4  }
0xd: {  	[smem:$0x3FB2] =	sst s5  }
0xe: {  	[smem:$0x3FB3] =	sst s6  }
0xf: {  	[smem:$0x3FB4] =	sst s7  }
0x10: {  	[smem:$0x3FB5] =	sst s8  }
0x11: {  	[smem:$0x3FB6] =	sst s9;
	s0 =	simm.s32 @!p0 $0x0  }
0x12: {  	s1 =	sld [smem:$0x3F9C];
	s0 =	simm.s32 @p0 $0x1  }
0x13: {  	[smem:$0x3FB7] =	sst s0;
	s0 =	simm.s32 @!p1 $0x0  }
0x14: {  	s2 =	sld [smem:$0x3F9B];
	s0 =	simm.s32 @p1 $0x1  }
0x15: {  	[smem:$0x3FB8] =	sst s0;
	s0 =	simm.s32 @!p2 $0x0  }
0x16: {  	s3 =	sld [smem:$0x3FDB];
	s0 =	simm.s32 @p2 $0x1  }
0x17: {  	s4 =	simm.s32 $0x1BF5;
	[smem:$0x3FBA] =	sst s0  }
0x18: {  	s0 =	sld [smem:$0x3F9D];
	_ =	swait.ge [sflag:s4], $0x0  }
0x19: {  	s7 =	sld [smem:$0x3F9E]  }
0x1a: {  	s8 =	sadd.s32 $0xFFFFE003, lr  }
0x1b: {  	s9 =	sadd.s32 $0xFFFFFEF7, lr;
	s5 =	simm.s32 $0xFFFFFFFF;
	p2 =	slt.u32 s8, $0xFFFFF086  }
0x1c: {  	p1 =	slt.u32 s9, $0xF7A;
	s5 =	simm.s32 @!p2 $0x0  }
0x1d: {  	s5 =	simm.s32 @p1 $0x1;
	p0 =	seq.s32 s7, s2  }
0x1e: {  	s7 =	smul.u32 @!p0 $0xF7A, s2;
	p2 =	seq.s32 @!p0 s5, $0x0  }
0x1f: {  	s9 =	smul.u32 $0xF7A, s1;
	s8 =	simm.s32 @!p0 $0x1BF5;
	p2 =	por !p2, p0  }
0x20: {  	[sflag:s8] =	ssyncset.s32 @!p0 $0xFFFFF086;
	s6 =	sadd.s32 @!p0 s3, s7;
	s7 =	simm.s32 @!p0 $0x108  }
0x21: {  	s3 =	sadd.s32 s3, s9;
	s6 =	sadd.s32 @!p0 $0x88, s6;
	s7 =	simm.s32 @p2 $0x1082  }
0x22: {  	[simem:s7], [sflag:s8] =	dma.local @!p0 [hbm:s6], $0xF7A  }
0x23: {  	s9 =	sor.u32 $0xD0000000, s2;
	s6 =	simm.s32 $0x108;
	_ =	swait.ge @!p0 [sflag:s8], $0x0  }
0x24: {  	s3 =	sadd.s32 $0x88, s3;
	s6 =	simm.s32 @!p1 $0x1082;
	[sflag:s4] =	ssyncset.s32 $0xFFFFF086  }
0x25: {  	[simem:s6], [sflag:s4] =	dma.local [hbm:s3], $0xF7A  }
0x26: {  	[smem:$0x3F9E] =	sst s1;
	(tag) =	ssettag s2;
	_ =	strace s9  }
0x27: {  	s1 =	sld [smem:$0x3FAE]  }
0x28: {  	s2 =	sld [smem:$0x3FAF]  }
0x29: {  	s4 =	sld [smem:$0x3FB1]  }
0x2a: {  	p0 =	seq.s32 s5, $0x0;
	s5 =	sld [smem:$0x3FB2]  }
0x2b: {  	s6 =	sld [smem:$0x3FB3]  }
0x2c: {  	s7 =	sld [smem:$0x3FB4]  }
0x2d: {  	s3 =	simm.s32 $0x108;
	s8 =	sld [smem:$0x3FB5]  }
0x2e: {  	s3 =	simm.s32 @!p0 $0x1082;
	s9 =	sld [smem:$0x3FB6]  }
0x2f: {  	lr =	sadd.s32 s0, s3;
	s0 =	sld [smem:$0x3FAD]  }
0x30: {  	s3 =	sld [smem:$0x3FB0]  }
0x31: {  	[smem:$0x3FB9] =	sst s10  }
0x32: {  	s10 =	sld [smem:$0x3FB7];
	_ =	sdelay $0x3  }
0x33: {  	p0 =	seq.s32 s10, $0x1;
	s10 =	sld [smem:$0x3FB9];
	_ =	sdelay $0x3  }
0x34: {  	[smem:$0x3FB9] =	sst s10  }
0x35: {  	s10 =	sld [smem:$0x3FB8];
	_ =	sdelay $0x3  }
0x36: {  	p1 =	seq.s32 s10, $0x1;
	s10 =	sld [smem:$0x3FB9];
	_ =	sdelay $0x3  }
0x37: {  	[smem:$0x3FB9] =	sst s10  }
0x38: {  	s10 =	sld [smem:$0x3FBA]  }
0x39: {  	_ = 	snop;
	(pc) =	sbr.ind lr, $3  }
0x3a: {  	_ = 	snop  }
0x3b: {  	_ = 	snop  }
0x3c: {  	p2 =	seq.s32 s10, $0x1;
	s10 =	sld [smem:$0x3FB9]  }
0x3d: {  	_ =	shalt  }
0x3e: {  	_ =	shalt  }
0x3f: {  	_ =	shalt  }
0x40: {  	_ =	shalt  }
0x41: {  	_ =	shalt  }
0x42: {  	_ =	shalt  }
0x43: {  	_ =	shalt  }
0x44: {  	_ =	shalt  }
0x45: {  	_ =	shalt  }
0x46: {  	_ =	shalt  }
0x47: {  	_ =	shalt  }
0x48: {  	_ =	shalt  }
0x49: {  	_ =	shalt  }
0x4a: {  	_ =	shalt  }
0x4b: {  	_ =	shalt  }
0x4c: {  	_ =	shalt  }
0x4d: {  	_ =	shalt  }
0x4e: {  	_ =	shalt  }
0x4f: {  	_ =	shalt  }
0x50: {  	_ =	shalt  }
0x51: {  	_ =	shalt  }
0x52: {  	_ =	shalt  }
0x53: {  	_ =	shalt  }
0x54: {  	_ =	shalt  }
0x55: {  	_ =	shalt  }
0x56: {  	_ =	shalt  }
0x57: {  	_ =	shalt  }
0x58: {  	_ =	shalt  }
0x59: {  	_ =	shalt  }
0x5a: {  	_ =	shalt  }
0x5b: {  	_ =	shalt  }
0x5c: {  	_ =	shalt  }
0x5d: {  	_ =	shalt  }
0x5e: {  	_ =	shalt  }
0x5f: {  	_ =	shalt  }
0x60: {  	_ =	shalt  }
0x61: {  	_ =	shalt  }
0x62: {  	_ =	shalt  }
0x63: {  	_ =	shalt  }
0x64: {  	_ =	shalt  }
0x65: {  	_ =	shalt  }
0x66: {  	_ =	shalt  }
0x67: {  	_ =	shalt  }
0x68: {  	_ =	shalt  }
0x69: {  	_ =	shalt  }
0x6a: {  	_ =	shalt  }
0x6b: {  	_ =	shalt  }
0x6c: {  	_ =	shalt  }
0x6d: {  	_ =	shalt  }
0x6e: {  	_ =	shalt  }
0x6f: {  	_ =	shalt  }
0x70: {  	_ =	shalt  }
0x71: {  	_ =	shalt  }
0x72: {  	_ =	shalt  }
0x73: {  	_ =	shalt  }
0x74: {  	_ =	shalt  }
0x75: {  	_ =	shalt  }
0x76: {  	_ =	shalt  }
0x77: {  	_ =	shalt  }
0x78: {  	_ =	shalt  }
0x79: {  	_ =	shalt  }
0x7a: {  	_ =	shalt  }
0x7b: {  	_ =	shalt  }
0x7c: {  	_ =	shalt  }
0x7d: {  	_ =	shalt  }
0x7e: {  	_ =	shalt  }
0x7f: {  	_ =	shalt  }
0x80: {  	_ =	shalt  }
0x81: {  	_ =	shalt  }
0x82: {  	_ =	shalt  }
0x83: {  	_ =	shalt  }
0x84: {  	_ =	shalt  }
0x85: {  	_ =	shalt  }
0x86: {  	_ =	shalt  }
0x87: {  	_ =	shalt  }
.Lfunc_end0:
.L_simem_size_0:
called_computation.1_lowered:
.L_overlay_start_0:
0x88: {  	s2 =	sld [smem:$0x3FD9]  }
0x89: {  	s3 =	sld [smem:$0x3FFE];
	_ =	sdelay $0x1  }
0x8a: {  	s1 =	srdreg.scid  }
0x8b: {  	s0 =	sand.u32 $0x1, s1  }
0x8c: {  	s17 =	sshll.u32 s0, $0xA;
	s2 =	sadd.s32 s3, s2  }
0x8d: {  	s2 =	sadd.s32 s2, s17  }
0x8e: {  	[smem:$0x3FC5] =	sst s2  }
0x8f: {  	_ = 	snop  }
0x90: {  	s2 =	sld [smem:$0x3FD0];
	(tm) =	ssettm $0x1  }
0x91: {  	s18 =	sld [smem:$0x3FFB];
	_ =	sdelay $0x3  }
0x92: {  	_ =	strace s18  }
0x93: {  	s3 =	sld [smem:$0x3FFC];
	_ =	sdelay $0x3  }
0x94: {  	_ =	strace s3  }
0x95: {  	s3 =	sld [smem:$0x3FFD];
	_ =	sdelay $0x3  }
0x96: {  	_ =	strace s3  }
0x97: {  	_ =	strace $0x8FFFFFFF  }
0x98: {  	s19 =	sld [smem:$0x3FDB];
	_ =	sdelay $0x1  }
0x99: {  	s4 =	simm.s32 $_scs_section_size  }
0x9a: {  	s5 =	simm.s32 $_size__tile_overlayer_lowered;
	s6 =	simm.s32 $_tile_overlayer_lowered  }
0x9b: {  	s22 =	simm.s32 $0x1BFF;
	s21 =	sshll.u32 s6, $0x1;
	s3 =	sadd.s32 s4, s19  }
0x9c: {  	s7 =	simm.s32 $0x0;
	s20 =	sshll.u32 s5, $0x1;
	s5 =	sadd.s32 s21, s3  }
0x9d: {  	[timem:s7], [sflag:s22] =	dma.local [hbm:s5], s20  }
0x9e: {  	_ =	swait.ge [sflag:s22], s20  }
0x9f: {  	s4 =	ssub.s32 $0x0, s20;
	[sflag:s22] =	ssyncset.done $0x0  }
0xa0: {  	[sflag:s22] =	ssyncadd.s32 s4;
	_ =	sdelay $0x1  }
0xa1: {  	s23 =	simm.s32 $0x1B8B  }
0xa2: {  	_ =	swait.ge [sflag:s23], $0x1  }
0xa3: {  	[sflag:s23] =	ssyncset.done $0x0  }
0xa4: {  	s25 =	simm.s32 $0x1B8E;
	s24 =	sld [smem:$0x3FFE];
	[sflag:s23] =	ssyncadd.s32 $0xFFFFFFFF  }
0xa5: {  	s26 =	simm.s32 $execute0_lowered;
	[smem:$0x3FD2] =	sst s25  }
0xa6: {  	s5 =	sshll.u32 s26, $0x1;
	_ =	strace $0x80000046;
	[dreg:$0x1] =	wrdreg $0xFFFFFFFF  }
0xa7: {  	s28 =	simm.s32 $_size_execute0_lowered;
	s3 =	sadd.s32 s3, s5;
	[dreg:$0x0] =	wrdreg $0x0  }
0xa8: {  	s5 =	sshll.u32 s28, $0x1;
	[dreg:$0x2] =	wrdreg s3  }
0xa9: {  	[dreg:$0x3] =	wrdreg s5  }
0xaa: {  	[dreg:$0x4] =	wrdreg $0xC0  }
0xab: {  	_ =	task [dreg:s7], $0x5FFFF  }
0xac: {  	[dreg:$0x1] =	wrdreg $0xFFFFFFFF  }
0xad: {  	[dreg:$0x0] =	wrdreg $0x60  }
0xae: {  	[dreg:$0x2] =	wrdreg s24  }
0xaf: {  	[dreg:$0x3] =	wrdreg s2  }
0xb0: {  	[dreg:$0x4] =	wrdreg $0x9  }
0xb1: {  	_ =	task.clear_ibuf [dreg:s7], $0x5FFFF;
	_ =	strace $0x90000046  }
0xb2: {  	s29 =	simm.s32 $0x9;
	_ =	strace $0x80000048  }
0xb3: {  	_ =	swait.ge [sflag:s29], $0x1  }
0xb4: {  	[sflag:s29] =	ssyncadd.s32 $0xFFFFFFFF  }
0xb5: {  	_ =	strace $0x90000048  }
0xb6: {  	_ =	sfence  }
0xb7: {  	s30 =	sld [smem:$0x0];
	_ =	sdelay $0x2  }
0xb8: {  	s31 =	sshll.u32 s1, $0xD;
	s1 =	sshrl.u32 s1, $0x2  }
0xb9: {  	s3 =	sand.u32 $0x4000, s31;
	s1 =	sadd.s32 s1, s30  }
0xba: {  	s0 =	sor.u32 s3, s0;
	s1 =	sshll.u32 s1, $0x11  }
0xbb: {  	s0 =	sor.u32 s1, s0  }
0xbc: {  	s0 =	sadd.s32 $0x8F2B, s0  }
0xbd: {  	[sflag:s0] =	ssyncadd.remote.s32 $0x1  }
0xbe: {  	_ =	sfence.sel $0xFFFF  }
0xbf: {  	[dreg:$0x0] =	wrdreg $0xFFFFFFFF;
	(pc) =	sbr.abs _section_cstart, $3  }
0xc0: {  	[dreg:$0x1] =	wrdreg $0xFFFFFFFF  }
0xc1: {  	_ =	task.clear_ibuf [dreg:s7], $0x2FFFF;
	_ =	strace $0x9FFFFFFF  }
0xc2: {  	(tm) =	ssettm $0x7FFFFFFF  }
0xc3: {  	_ =	shalt  }
tec
execute0_lowered:
.L_overlay_start_1:
0x0: {  	(tag) =	ssettag $0x1  }
0x1: {  	s0 =	srdreg.scid;
	s4 =	rddreg [dreg:$0x0]  }
0x2: {  	s2 =	stileid.u32;
	s5 =	rddreg [dreg:$0x1];
	s3 =	simm.s32 $0x0  }
0x3: {  	s12 =	simm.s32 $0x100;
	s13 =	simm.s32 $0x3400;
	s14 =	simm.s32 $0x7400  }
0x4: {  	s15 =	simm.s32 $0x4400;
	s16 =	simm.s32 $0x8400;
	s17 =	simm.s32 $0x1  }
0x5: {  	s18 =	simm.s32 $0x10;
	s19 =	simm.s32 $0x20;
	s20 =	simm.s32 $0x5400  }
0x6: {  	s21 =	simm.s32 $0x9400;
	s22 =	simm.s32 $0x2;
	s28 =	simm.s32 $0x4  }
0x7: {  	s29 =	simm.s32 $0x6;
	s30 =	simm.s32 $0x7;
	s31 =	simm.s32 $0x8  }
0x8: {  	s0 =	sand.u32 $0x1, s0;
	s1 =	sshll.u32 s2, $0x1;
	s6 =	smul.u32 $0xD0000, s2  }
0x9: {  	[smem:$0x7FF] =	sst s3;
	s1 =	sor.u32 s0, s1;
	s7 =	smul.u32 $0x68000, s0  }
0xa: {  	s3 =	sadd.s32 $0x112B400, s4;
	s0 =	ssub.s32 $0x2, s0;
	s1 =	smul.u32 $0x680, s1  }
0xb: {  	_ =	strace $0x80000047;
	s8 =	sshrl.u32 s0, $0x1;
	s9 =	sadd.s32 s7, s6  }
0xc: {  	s0 =	ssub.s32 s0, s8;
	s1 =	sadd.s32 s1, s4;
	s4 =	sadd.s32 $0xF42E00, s4  }
0xd: {  	s7 =	sor.u32 $0x2000, s9;
	s0 =	smax.u32 s0, $0x1;
	s24 =	sor.u32 $0x6000, s9  }
0xe: {  	s25 =	sor.u32 $0x4000, s9;
	s26 =	sshrl.u32 s9, $0x3;
	s1 =	sadd.s32 $0xA00, s1  }
.Ltmp0:
0xf: {  	[dreg:$0x4] =	wrdreg s0;
	s23 =	sshrl.u32 s7, $0x3;
	(pc) =	sbr.rel .LBB2_1-.Ltmp0, $4  }
0x10: {  	s0 =	sshrl.u32 s24, $0x3;
	s8 =	sadd.s32 s26, s5;
	s24 =	simm.s32 $0xA400  }
0x11: {  	s26 =	simm.s32 $0x5;
	[dreg:$0x3] =	wrdreg s1;
	s7 =	sadd.s32 s23, s5  }
0x12: {  	s1 =	sshrl.u32 s25, $0x3;
	s9 =	sadd.s32 s0, s5;
	s23 =	simm.s32 $0x6400  }
0x13: {  	s25 =	simm.s32 $0x3;
	s10 =	sadd.s32 s1, s5;
	s1 =	simm.s32 $0x0  }
.LBB2_4:
0x14: {  	_ =	swait.ge [sflag:s30], $0x1000  }
0x15: {  	[sflag:s30] =	ssyncset.done $0x0  }
0x16: {  	[sflag:s30] =	ssyncadd.s32 $0xFFFFF000  }
0x17: {  	_ =	swait.ge [sflag:s30], $0x1000  }
0x18: {  	[sflag:s30] =	ssyncset.done $0x0  }
0x19: {  	[sflag:s30] =	ssyncadd.s32 $0xFFFFF000  }
0x1a: {  	_ =	swait.ge [sflag:s31], $0x1000  }
0x1b: {  	[sflag:s31] =	ssyncset.done $0x0  }
0x1c: {  	[sflag:s31] =	ssyncadd.s32 $0xFFFFF000  }
0x1d: {  	_ =	swait.ge [sflag:s31], $0x1000  }
0x1e: {  	s1 =	sadd.s32 $0x1, s1;
	s0 =	rddreg [dreg:$0x4]  }
0x1f: {  	p0 =	sne.s32 s1, s0  }
.Ltmp1:
0x20: {  	_ = 	snop;
	(pc) =	sbr.rel @!p0 .LBB2_5-.Ltmp1, $3  }
0x21: {  	_ =	sdelay $0x1  }
0x22: {  	[sflag:s31] =	ssyncset.done $0x0  }
0x23: {  	[sflag:s31] =	ssyncadd.s32 $0xFFFFF000  }
.LBB2_1:
0x24: {  	s0 =	simm.s32 $0x0;
	s2 =	rddreg [dreg:$0x3];
	s11 =	simm.s32 $0x9  }
0x25: {  	[tilespmem:s0], [sflag:$0x9] =	stream.linear.gather [hbm4b:s2+s0], $0x3400, $0x38;
	[tilespmem:$0xB400] =	vst v63  }
0x26: {  	_ =	swait.ge [sflag:s11], $0x3400  }
0x27: {  	[sflag:s11] =	ssyncset.done $0x0  }
0x28: {  	[sflag:s11] =	ssyncadd.s32 $0xFFFFCC00  }
0x29: {  	[tilespmem:s13], [sflag:$0x1] =	stream.indirect.gather [hbm4b:s3+s12], $0x10, s0, s12, $0xb8;
	[tilespmem:$0xB400] =	vst v63  }
0x2a: {  	_ = 	snop  }
0x2b: {  	[tilespmem:s14], [sflag:$0x1] =	stream.indirect.gather [hbm4b:s4+s12], $0x10, s0, s12, $0xb8;
	[tilespmem:$0xB400] =	vst v63  }
0x2c: {  	_ = 	snop  }
0x2d: {  	[tilespmem:s15], [sflag:$0x2] =	stream.indirect.gather [hbm4b:s3+s12], $0x10, s12, s12, $0xb8;
	[tilespmem:$0xB400] =	vst v63  }
0x2e: {  	s0 =	simm.s32 $0x0  }
0x2f: {  	[tilespmem:s16], [sflag:$0x2] =	stream.indirect.gather [hbm4b:s4+s12], $0x10, s12, s12, $0xb8;
	[tilespmem:$0xB400] =	vst v63  }
.LBB2_2:
0x30: {  	_ =	swait.ge [sflag:s17], $0x1000  }
0x31: {  	[sflag:s17] =	ssyncset.done $0x0  }
0x32: {  	[sflag:s17] =	ssyncadd.s32 $0xFFFFF000  }
0x33: {  	_ =	swait.ge [sflag:s17], $0x1000  }
0x34: {  	[sflag:s17] =	ssyncset.done $0x0  }
0x35: {  	s5 =	sadd.s32 s0, s8;
	p0 =	seq.s32 s0, $0x0;
	[sflag:s17] =	ssyncadd.s32 $0xFFFFF000  }
0x36: {  	[hbm4b:s5+s18] =	stream.strided.scatter [tilespmem:s13], [sflag:$0x5], $0x1000, s19, s18, $0x38;
	[tilespmem:$0xB400] =	vst v63  }
0x37: {  	s6 =	simm.s32 @!p0 $0x7;
	s5 =	sadd.s32 $0x2, s5  }
0x38: {  	[hbm4b:s5+s18] =	stream.strided.scatter [tilespmem:s14], [sflag:$0x5], $0x1000, s19, s18, $0x38;
	[tilespmem:$0xB400] =	vst v63  }
0x39: {  	_ =	swait.ge @!p0 [sflag:s6], $0x1000  }
0x3a: {  	[sflag:s6] =	ssyncset.done @!p0 $0x0  }
0x3b: {  	[sflag:s6] =	ssyncadd.s32 @!p0 $0xFFFFF000  }
0x3c: {  	_ =	swait.ge @!p0 [sflag:s6], $0x1000  }
0x3d: {  	s5 =	sshra.s32 s0, $0x2;
	[sflag:s6] =	ssyncset.done @!p0 $0x0  }
0x3e: {  	s11 =	sadd.s32 $0x200, s5;
	[sflag:s6] =	ssyncadd.s32 @!p0 $0xFFFFF000  }
0x3f: {  	[tilespmem:s20], [sflag:$0x3] =	stream.indirect.gather [hbm4b:s3+s12], $0x10, s11, s12, $0xb8;
	[tilespmem:$0xB400] =	vst v63  }
0x40: {  	_ = 	snop  }
0x41: {  	[tilespmem:s21], [sflag:$0x3] =	stream.indirect.gather [hbm4b:s4+s12], $0x10, s11, s12, $0xb8;
	[tilespmem:$0xB400] =	vst v63  }
0x42: {  	_ =	swait.ge [sflag:s22], $0x1000  }
0x43: {  	[sflag:s22] =	ssyncset.done $0x0  }
0x44: {  	[sflag:s22] =	ssyncadd.s32 $0xFFFFF000  }
0x45: {  	_ =	swait.ge [sflag:s22], $0x1000  }
0x46: {  	[sflag:s22] =	ssyncset.done $0x0  }
0x47: {  	s2 =	sadd.s32 s0, s7;
	[sflag:s22] =	ssyncadd.s32 $0xFFFFF000  }
0x48: {  	[hbm4b:s2+s18] =	stream.strided.scatter [tilespmem:s15], [sflag:$0x6], $0x1000, s19, s18, $0x38;
	[tilespmem:$0xB400] =	vst v63  }
0x49: {  	s6 =	sadd.s32 $0x2, s2  }
0x4a: {  	[hbm4b:s6+s18] =	stream.strided.scatter [tilespmem:s16], [sflag:$0x6], $0x1000, s19, s18, $0x38;
	[tilespmem:$0xB400] =	vst v63  }
0x4b: {  	s6 =	simm.s32 @!p0 $0x8  }
0x4c: {  	_ =	swait.ge @!p0 [sflag:s6], $0x1000  }
0x4d: {  	[sflag:s6] =	ssyncset.done @!p0 $0x0  }
0x4e: {  	[sflag:s6] =	ssyncadd.s32 @!p0 $0xFFFFF000  }
0x4f: {  	_ =	swait.ge @!p0 [sflag:s6], $0x1000  }
0x50: {  	[sflag:s6] =	ssyncset.done @!p0 $0x0  }
0x51: {  	s11 =	sadd.s32 $0x300, s5;
	[sflag:s6] =	ssyncadd.s32 @!p0 $0xFFFFF000  }
0x52: {  	[tilespmem:s23], [sflag:$0x4] =	stream.indirect.gather [hbm4b:s3+s12], $0x10, s11, s12, $0xb8;
	[tilespmem:$0xB400] =	vst v63  }
0x53: {  	_ = 	snop  }
0x54: {  	[tilespmem:s24], [sflag:$0x4] =	stream.indirect.gather [hbm4b:s4+s12], $0x10, s11, s12, $0xb8;
	[tilespmem:$0xB400] =	vst v63  }
0x55: {  	_ =	swait.ge [sflag:s25], $0x1000  }
0x56: {  	[sflag:s25] =	ssyncset.done $0x0  }
0x57: {  	[sflag:s25] =	ssyncadd.s32 $0xFFFFF000  }
0x58: {  	_ =	swait.ge [sflag:s25], $0x1000  }
0x59: {  	[sflag:s25] =	ssyncset.done $0x0  }
0x5a: {  	s2 =	sadd.s32 s0, s10;
	[sflag:s25] =	ssyncadd.s32 $0xFFFFF000  }
0x5b: {  	[hbm4b:s2+s18] =	stream.strided.scatter [tilespmem:s20], [sflag:$0x7], $0x1000, s19, s18, $0x38;
	[tilespmem:$0xB400] =	vst v63  }
0x5c: {  	s6 =	sadd.s32 $0x2, s2  }
0x5d: {  	[hbm4b:s6+s18] =	stream.strided.scatter [tilespmem:s21], [sflag:$0x7], $0x1000, s19, s18, $0x38;
	[tilespmem:$0xB400] =	vst v63  }
0x5e: {  	_ =	swait.ge [sflag:s26], $0x1000  }
0x5f: {  	[sflag:s26] =	ssyncset.done $0x0  }
0x60: {  	[sflag:s26] =	ssyncadd.s32 $0xFFFFF000  }
0x61: {  	p0 =	seq.s32 s0, $0xC000;
	_ =	swait.ge [sflag:s26], $0x1000  }
0x62: {  	s11 =	simm.s32 @!p0 $0x3400;
	s6 =	sshra.s32 @!p0 s0, $0x2;
	[sflag:s26] =	ssyncset.done $0x0  }
0x63: {  	s2 =	simm.s32 @!p0 $0x100;
	s6 =	sadd.s32 @!p0 $0x400, s6;
	[sflag:s26] =	ssyncadd.s32 $0xFFFFF000  }
0x64: {  	[tilespmem:s11], [sflag:$0x1] =	stream.indirect.gather @!p0 [hbm4b:s3+s2], $0x10, s6, s2, $0xb8;
	[tilespmem:$0xB400] =	vst v63  }
0x65: {  	s11 =	simm.s32 @!p0 $0x7400  }
0x66: {  	[tilespmem:s11], [sflag:$0x1] =	stream.indirect.gather @!p0 [hbm4b:s4+s2], $0x10, s6, s2, $0xb8;
	[tilespmem:$0xB400] =	vst v63  }
0x67: {  	_ =	swait.ge [sflag:s28], $0x1000  }
0x68: {  	[sflag:s28] =	ssyncset.done $0x0  }
0x69: {  	[sflag:s28] =	ssyncadd.s32 $0xFFFFF000  }
0x6a: {  	_ =	swait.ge [sflag:s28], $0x1000  }
0x6b: {  	[sflag:s28] =	ssyncset.done $0x0  }
0x6c: {  	s11 =	sadd.s32 s0, s9;
	[sflag:s28] =	ssyncadd.s32 $0xFFFFF000  }
0x6d: {  	[hbm4b:s11+s18] =	stream.strided.scatter [tilespmem:s23], [sflag:$0x8], $0x1000, s19, s18, $0x38;
	[tilespmem:$0xB400] =	vst v63  }
0x6e: {  	s2 =	sadd.s32 $0x2, s11  }
0x6f: {  	[hbm4b:s2+s18] =	stream.strided.scatter [tilespmem:s24], [sflag:$0x8], $0x1000, s19, s18, $0x38;
	[tilespmem:$0xB400] =	vst v63  }
0x70: {  	_ =	swait.ge [sflag:s29], $0x1000  }
.Ltmp2:
0x71: {  	[sflag:s29] =	ssyncset.done $0x0;
	(pc) =	sbr.rel @p0 .LBB2_4-.Ltmp2, $4  }
0x72: {  	[sflag:s29] =	ssyncadd.s32 $0xFFFFF000  }
0x73: {  	_ =	swait.ge [sflag:s29], $0x1000  }
0x74: {  	[sflag:s29] =	ssyncset.done $0x0  }
0x75: {  	[sflag:s29] =	ssyncadd.s32 $0xFFFFF000  }
.Ltmp3:
0x76: {  	(pc) =	sbr.rel .LBB2_2-.Ltmp3, $4  }
0x77: {  	s2 =	sadd.s32 $0x500, s5  }
0x78: {  	[tilespmem:s15], [sflag:$0x2] =	stream.indirect.gather [hbm4b:s3+s12], $0x10, s2, s12, $0xb8;
	[tilespmem:$0xB400] =	vst v63  }
0x79: {  	s0 =	sadd.s32 $0x1000, s0  }
0x7a: {  	[tilespmem:s16], [sflag:$0x2] =	stream.indirect.gather [hbm4b:s4+s12], $0x10, s2, s12, $0xb8;
	[tilespmem:$0xB400] =	vst v63  }
.LBB2_5:
0x7b: {  	_ =	sfence.sel $0x180000  }
0x7c: {  	[bflag:$0x0] =	sbarrier.arrive $0xFFFF  }
0x7d: {  	_ =	strace $0x90000047  }
0x7e: {  	s0 =	stileid.u32;
	[bflag:$0x2] =	sbarrier.arrive $0xFFFF  }
0x7f: {  	p0 =	sne.s32 s0, $0x0;
	s0 =	rddreg [dreg:$0x2]  }
0x80: {  	s0 =	sadd.s32 @!p0 $0x100000, s0  }
0x81: {  	[sflag:s0] =	ssyncadd.tile.s32 @!p0 $0x1;
	_ =	shalt  }
.Lfunc_end2:
_tile_overlayer_lowered:
.L_overlay_start_2:
0x82: {  	(tag) =	ssettag $0x2  }
0x83: {  	s0 =	rddreg [dreg:$0x0];
	s2 =	stileid.u32  }
0x84: {  	s1 =	rddreg [dreg:$0x1];
	p0 =	sne.s32 s2, $0x0  }
0x85: {  	s3 =	rddreg [dreg:$0x2];
	[bflag:$0x3] =	sbarrier.arrive $0xFFFF;
	s2 =	simm.s32 @!p0 $0x1C09  }
0x86: {  	[timem:s3], [sflag:s2] =	dma.local @!p0 [hbm:s0], s1  }
0x87: {  	s0 =	simm.s32 @!p0 $0x9  }
0x88: {  	_ =	swait.ge @!p0 [sflag:s0], s1  }
0x89: {  	s1 =	ssub.s32 @!p0 $0x0, s1;
	[sflag:s0] =	ssyncset.done @!p0 $0x0  }
0x8a: {  	[sflag:s0] =	ssyncadd.s32 @!p0 s1  }
0x8b: {  	[bflag:$0x3] =	sbarrier.arrive $0xFFFF  }
0x8c: {  	_ =	shalt  }

// kernel: sparse-core-data-format-call.cloned.1.call-start
scs
called_computation_lowered:
.L_overlay_start_0:
0x0: {  	s2 =	sld [smem:$0x3FD9]  }
0x1: {  	s3 =	sld [smem:$0x3FFE];
	_ =	sdelay $0x1  }
0x2: {  	s1 =	srdreg.scid  }
0x3: {  	s0 =	sand.u32 $0x1, s1  }
0x4: {  	s18 =	sshll.u32 s0, $0xA;
	s2 =	sadd.s32 s3, s2  }
0x5: {  	s2 =	sadd.s32 s2, s18  }
0x6: {  	[smem:$0x3FC5] =	sst s2  }
0x7: {  	_ = 	snop  }
0x8: {  	s2 =	sld [smem:$0x3FD0];
	(tm) =	ssettm $0x1  }
0x9: {  	s19 =	sld [smem:$0x3FFB];
	_ =	sdelay $0x3  }
0xa: {  	_ =	strace s19  }
0xb: {  	s3 =	sld [smem:$0x3FFC];
	_ =	sdelay $0x3  }
0xc: {  	_ =	strace s3  }
0xd: {  	s3 =	sld [smem:$0x3FFD];
	_ =	sdelay $0x3  }
0xe: {  	_ =	strace s3  }
0xf: {  	_ =	strace $0x8FFFFFFF  }
0x10: {  	s20 =	sld [smem:$0x3FDB];
	_ =	sdelay $0x1  }
0x11: {  	s4 =	simm.s32 $_scs_section_size  }
0x12: {  	s5 =	simm.s32 $_size__tile_overlayer_lowered;
	s6 =	simm.s32 $_tile_overlayer_lowered  }
0x13: {  	s23 =	simm.s32 $0x1BFF;
	s22 =	sshll.u32 s6, $0x1;
	s3 =	sadd.s32 s4, s20  }
0x14: {  	s7 =	simm.s32 $0x0;
	s21 =	sshll.u32 s5, $0x1;
	s5 =	sadd.s32 s22, s3  }
0x15: {  	[timem:s7], [sflag:s23] =	dma.local [hbm:s5], s21  }
0x16: {  	_ =	swait.ge [sflag:s23], s21  }
0x17: {  	s4 =	ssub.s32 $0x0, s21;
	[sflag:s23] =	ssyncset.done $0x0  }
0x18: {  	[sflag:s23] =	ssyncadd.s32 s4;
	_ =	sdelay $0x1  }
0x19: {  	s24 =	simm.s32 $0x1B8B  }
0x1a: {  	_ =	swait.ge [sflag:s24], $0x1  }
0x1b: {  	[sflag:s24] =	ssyncset.done $0x0  }
0x1c: {  	s26 =	simm.s32 $0x1B8E;
	s25 =	sld [smem:$0x3FFE];
	[sflag:s24] =	ssyncadd.s32 $0xFFFFFFFF  }
0x1d: {  	s27 =	simm.s32 $execute0_lowered;
	[smem:$0x3FD2] =	sst s26  }
0x1e: {  	s5 =	sshll.u32 s27, $0x1;
	_ =	strace $0x80000049;
	[dreg:$0x1] =	wrdreg $0xFFFFFFFF  }
0x1f: {  	s28 =	simm.s32 $_size_execute0_lowered;
	s3 =	sadd.s32 s3, s5;
	[dreg:$0x0] =	wrdreg $0x0  }
0x20: {  	s5 =	sshll.u32 s28, $0x1;
	[dreg:$0x2] =	wrdreg s3  }
0x21: {  	[dreg:$0x3] =	wrdreg s5  }
0x22: {  	[dreg:$0x4] =	wrdreg $0xC0  }
0x23: {  	_ =	task [dreg:s7], $0x5FFFF  }
0x24: {  	[dreg:$0x1] =	wrdreg $0xFFFFFFFF  }
0x25: {  	[dreg:$0x0] =	wrdreg $0x60  }
0x26: {  	[dreg:$0x2] =	wrdreg s25  }
0x27: {  	[dreg:$0x3] =	wrdreg s2  }
0x28: {  	[dreg:$0x4] =	wrdreg $0x9  }
0x29: {  	_ =	task.clear_ibuf [dreg:s7], $0x5FFFF;
	_ =	strace $0x90000049  }
0x2a: {  	s29 =	simm.s32 $0x9;
	_ =	strace $0x8000004B  }
0x2b: {  	_ =	swait.ge [sflag:s29], $0x1  }
0x2c: {  	[sflag:s29] =	ssyncadd.s32 $0xFFFFFFFF  }
0x2d: {  	_ =	strace $0x9000004B  }
0x2e: {  	_ =	sfence  }
0x2f: {  	s30 =	sld [smem:$0x0];
	_ =	sdelay $0x2  }
0x30: {  	s31 =	sshll.u32 s1, $0xD;
	s1 =	sshrl.u32 s1, $0x2  }
0x31: {  	s3 =	sand.u32 $0x4000, s31;
	s1 =	sadd.s32 s1, s30  }
0x32: {  	s0 =	sor.u32 s3, s0;
	s1 =	sshll.u32 s1, $0x11  }
0x33: {  	s0 =	sor.u32 s1, s0  }
0x34: {  	s0 =	sadd.s32 $0x8F2B, s0  }
0x35: {  	[sflag:s0] =	ssyncadd.remote.s32 $0x1  }
0x36: {  	_ =	sfence.sel $0xFFFF  }
0x37: {  	[dreg:$0x0] =	wrdreg $0xFFFFFFFF;
	(pc) =	sbr.abs _section_cstart, $3  }
0x38: {  	[dreg:$0x1] =	wrdreg $0xFFFFFFFF  }
0x39: {  	_ =	task.clear_ibuf [dreg:s7], $0x2FFFF;
	_ =	strace $0x9FFFFFFF  }
0x3a: {  	(tm) =	ssettm $0x7FFFFFFF  }
0x3b: {  	_ =	shalt  }
tec
execute0_lowered:
.L_overlay_start_1:
0x0: {  	(tag) =	ssettag $0x1  }
0x1: {  	s0 =	srdreg.scid  }
0x2: {  	s1 =	sshll.u32 s0, $0x4  }
0x3: {  	s0 =	stileid.u32;
	s1 =	sand.u32 $0x10, s1  }
0x4: {  	s1 =	sor.u32 s0, s1  }
0x5: {  	s6 =	rddreg [dreg:$0x0];
	s4 =	simm.s32 $0x1;
	s2 =	sshll.u32 s1, $0x7  }
0x6: {  	s7 =	simm.s32 $0x2;
	s12 =	simm.s32 $0x0;
	s1 =	ssub.s32 $0x4000, s2  }
0x7: {  	s8 =	simm.s32 $0x20000;
	s13 =	simm.s32 $0x0;
	s3 =	sand.u32 $0xF80, s1  }
0x8: {  	s9 =	simm.s32 $0x0;
	s5 =	sshrl.u32 s1, $0xC;
	p0 =	sne.s32 s3, $0x0  }
.Ltmp0:
0x9: {  	s1 =	rddreg [dreg:$0x2];
	s4 =	simm.s32 @!p0 $0x0;
	(pc) =	sbr.rel .LBB1_1-.Ltmp0, $4  }
0xa: {  	s11 =	simm.s32 $0x0;
	s3 =	rddreg [dreg:$0x1];
	s5 =	sadd.s32 s4, s5  }
0xb: {  	_ =	strace $0x8000004A;
	s4 =	simm.s32 $0x1;
	s5 =	smul.u32 $0x1A, s5  }
0xc: {  	s6 =	sadd.s32 $0xA00, s6;
	s10 =	smov.u32 s2;
	[sflag:s4] =	ssyncpa.u1 $0x0  }
0xd: {  	p0 =	por $0x0, $0x0;
	[sflag:s7] =	ssyncpa.u1 $0x0;
	s7 =	sor.u32 $0x1, s5  }
.LBB1_4:
0xe: {  	s16 =	sshll.u32 s13, $0x3;
	s17 =	sand.u32 $0x78, s13  }
0xf: {  	s30 =	sand.u32 $0xF800, s13;
	s12 =	sshll.u32 s12, $0x10;
	s16 =	sand.u32 $0x3C00, s16  }
0x10: {  	s31 =	sand.u32 $0x7, s13;
	s16 =	sor.u32 s17, s16;
	s17 =	sadd.s32 s3, s30  }
0x11: {  	s13 =	sshll.u32 s31, $0x12;
	s16 =	sshrl.u32 s16, $0x3;
	s12 =	sadd.s32 s12, s17  }
0x12: {  	[tilespmem:s15+$0x0 ss:$0x81] =	vst.msk $0xffff, v0;
	s13 =	sor.u32 $0x400, s13;
	s12 =	sadd.s32 s16, s12  }
0x13: {  	[hbm4b:s12+s13] =	stream.strided.scatter [tilespmem:s14], [sflag:$0x2], $0x1000, s8, s13, $0x20;
	[tilespmem:$0x4040] =	vst v63  }
.LBB1_5:
0x14: {  	s14 =	sadd.s32 $0x1, s9  }
0x15: {  	s12 =	sadd.s32 $0x1000, s10;
	s16 =	smov.u32 s10;
	p2 =	sgt.s32 s14, $0x19  }
0x16: {  	s16 =	smov.u32 @p2 s12  }
0x17: {  	s14 =	simm.s32 @p2 $0x0;
	p2 =	sgt.s32 s16, $0x3FFF  }
0x18: {  	s16 =	smov.u32 @p2 s2;
	p2 =	sne.s32 s11, s7  }
.Ltmp1:
0x19: {  	p1 =	slt.u32 s11, $0x2;
	(pc) =	sbr.rel @!p2 .LBB1_6-.Ltmp1, $4  }
0x1a: {  	s15 =	simm.s32 @!p1 $0x2  }
0x1b: {  	s13 =	smov.u32 s10;
	p0 =	por !p0, !p0;
	_ =	swait.ge @!p1 [sflag:s15], $0x1000  }
0x1c: {  	s12 =	smov.u32 s9;
	[sflag:s15] =	ssyncset.done @!p1 $0x0;
	s9 =	smov.u32 s14  }
0x1d: {  	s11 =	sadd.s32 $0x1, s11;
	[sflag:s15] =	ssyncadd.s32 @!p1 $0xFFFFF000;
	s10 =	smov.u32 s16  }
.LBB1_1:
0x1e: {  	p1 =	sge.u32 s11, s5  }
0x1f: {  	s31 =	sadd.s32 $0xFFFFFFFF, s11;
	s14 =	sxor.u32 @!p1 $0xFFFFFFFF, s11  }
0x20: {  	s15 =	sshll.u32 @!p1 s10, $0x9;
	s16 =	sshll.u32 @!p1 s9, $0x4;
	s17 =	simm.s32 @!p1 $0x1000  }
0x21: {  	s14 =	sshll.u32 @!p1 s14, $0xC;
	s16 =	sand.u32 @!p1 $0x1F0, s16;
	s15 =	sadd.s32 @!p1 s6, s15  }
0x22: {  	s14 =	sand.u32 @!p1 $0x1000, s14;
	s15 =	sadd.s32 @!p1 s16, s15;
	s16 =	simm.s32 @!p1 $0x20  }
0x23: {  	[tilespmem:s14], [sflag:$0x1] =	stream.strided.gather @!p1 [hbm4b:s15+s16], $0x1000, s17, s16, $0x38;
	[tilespmem:$0x4040] =	vst v63  }
0x24: {  	p1 =	sge.u32 s31, s5  }
.Ltmp2:
0x25: {  	_ = 	snop;
	(pc) =	sbr.rel @p1 .LBB1_5-.Ltmp2, $1  }
0x26: {  	_ =	sdelay $0x3  }
0x27: {  	s14 =	simm.s32 $0x1  }
0x28: {  	_ =	swait.ge [sflag:s4], $0x1000;
	s14 =	simm.s32 @!p0 $0x0  }
0x29: {  	[sflag:s4] =	ssyncset.done $0x0;
	s15 =	sshll.u32 s14, $0xC  }
0x2a: {  	[sflag:s4] =	ssyncadd.s32 $0xFFFFF000;
	s18 =	sor.u32 $0x10, s15  }
0x2b: {  	s14 =	smul.u32 $0x4080, s14;
	v1 =	vld [tilespmem:s18+$0x0]  }
0x2c: {  	s30 =	sand.u32 $0x1, s11;
	v0 =	vld [tilespmem:s18+$0xFFFFFFF0]  }
0x2d: {  	s15 =	smul.u32 $0x4080, s30;
	s14 =	sshrl.u32 s14, $0x2  }
0x2e: {  	s16 =	sor.u32 $0x2000, s14  }
0x2f: {  	s31 =	sshrl.u32 s15, $0x2;
	s15 =	sadd.s32 $0x0, s16  }
0x30: {  	s17 =	simm.s32 $0x4;
	s18 =	sadd.s32 $0x20, s18;
	s14 =	sor.u32 $0x2000, s31;
	[tilespmem:s15+$0x810 ss:$0x81] =	vst.msk $0xffff, v1  }
.LBB1_3:
0x31: {  	v1 =	vld [tilespmem:s18+$0x0];
	p1 =	sne.s32 s17, $0x1FC;
	[tilespmem:s15+$0x0 ss:$0x81] =	vst.msk $0xffff, v0;
	s15 =	smov.u32 s17;
	s17 =	sadd.s32 $0x4, s17  }
.Ltmp3:
0x32: {  	v0 =	vld [tilespmem:s18+$0xFFFFFFF0];
	(pc) =	sbr.rel @p1 .LBB1_3-.Ltmp3, $4  }
0x33: {  	_ = 	snop  }
0x34: {  	s15 =	sshra.s32 s15, $0x2  }
0x35: {  	s15 =	sadd.s32 s15, s16  }
0x36: {  	s18 =	sadd.s32 $0x20, s18;
	[tilespmem:s15+$0x810 ss:$0x81] =	vst.msk $0xffff, v1  }
.Ltmp4:
0x37: {  	_ = 	snop;
	(pc) =	sbr.rel .LBB1_4-.Ltmp4, $1  }
0x38: {  	_ =	sdelay $0x3  }
.LBB1_6:
0x39: {  	_ =	sfence.sel $0x180000  }
0x3a: {  	s2 =	simm.s32 $0x1;
	[bflag:$0x0] =	sbarrier.arrive $0xFFFF  }
0x3b: {  	s31 =	simm.s32 $0x2;
	[sflag:s2] =	ssyncpa.u1 $0x1  }
0x3c: {  	[sflag:s31] =	ssyncpa.u1 $0x1  }
0x3d: {  	p0 =	sne.s32 s0, $0x0;
	_ =	strace $0x9000004A  }
0x3e: {  	s0 =	sadd.s32 @!p0 $0x100000, s1;
	[bflag:$0x2] =	sbarrier.arrive $0xFFFF  }
0x3f: {  	[sflag:s0] =	ssyncadd.tile.s32 @!p0 $0x1;
	_ =	shalt  }
.Lfunc_end1:
_tile_overlayer_lowered:
.L_overlay_start_2:
0x40: {  	(tag) =	ssettag $0x2  }
0x41: {  	s0 =	rddreg [dreg:$0x0];
	s2 =	stileid.u32  }
0x42: {  	s1 =	rddreg [dreg:$0x1];
	p0 =	sne.s32 s2, $0x0  }
0x43: {  	s3 =	rddreg [dreg:$0x2];
	[bflag:$0x3] =	sbarrier.arrive $0xFFFF;
	s2 =	simm.s32 @!p0 $0x1C01  }
0x44: {  	[timem:s3], [sflag:s2] =	dma.local @!p0 [hbm:s0], s1  }
0x45: {  	s0 =	simm.s32 @!p0 $0x1  }
0x46: {  	_ =	swait.ge @!p0 [sflag:s0], s1  }
0x47: {  	s1 =	ssub.s32 @!p0 $0x0, s1;
	[sflag:s0] =	ssyncset.done @!p0 $0x0  }
0x48: {  	[sflag:s0] =	ssyncadd.s32 @!p0 s1  }
0x49: {  	[bflag:$0x3] =	sbarrier.arrive $0xFFFF  }
0x4a: {  	_ =	shalt  }

</sc_bundles>
